<compile_context>
chip_gen: v7x
topology: tpu7x:2x2x1
jax: 0.10.2.dev20260603
libtpu: 0.0.44.dev20260713+nightly
codegen_flags: <defaults>
</compile_context>

<pallas_src>
import functools

import jax
import jax.numpy as jnp
from jax import lax
from jax.experimental import pallas as pl
from jax.experimental.pallas import tpu as pltpu
from jax.experimental.pallas import tpu_sc as plsc

N_NODES = 100000
N_EDGES = 6400000
K = 4

_INFO = plsc.get_sparse_core_info()
NC, NS, L = _INFO.num_cores, _INFO.num_subcores, _INFO.num_lanes
NW = NC * NS

NPW = -(-N_NODES // NW)
CHW = -(-NPW // L)
NPW_PAD = CHW * L
OUT_W = NPW_PAD * K

ROW_LOG2 = 11
ROW_W = 1 << ROW_LOG2
EP_ROWS = N_EDGES // ROW_W

BLK = 16
PHASE_BLOCKS = ROW_W // BLK

RP_WIN = ((NPW_PAD + 1 + 7) // 8 + 1) * 8
RP_PAD_LEN = ((NW - 1) * NPW // 8) * 8 + RP_WIN

_NEG_INF = float("-inf")


def _sc_topk(rp_hbm, ed_hbm, outv_hbm, outi_hbm, rp_v, buf_v, idx_v, ov_v, oi_v, sem):
    wid = lax.axis_index("c") * NS + lax.axis_index("s")
    r0 = wid * NPW
    r0_al = pl.multiple_of(r0 & ~7, 8)
    off = r0 - r0_al
    pltpu.sync_copy(rp_hbm.at[pl.ds(r0_al, RP_WIN)], rp_v)

    lane = lax.iota(jnp.int32, L)
    lane2 = lane * 2
    neg = jnp.full((L,), _NEG_INF, jnp.float32)
    mone = jnp.full((L,), -1, jnp.int32)

    nl0 = lane * CHW
    lend = nl0 + CHW
    pos0 = plsc.load_gather(rp_v, [off + nl0])
    e0 = plsc.load_gather(rp_v, [off + nl0 + 1])

    def step(e, pos, fa, v0, v1, v2, v3, i0, i1, i2, i3):
        active = pos < e
        row = fa >> ROW_LOG2
        col = fa & (ROW_W - 1)
        val = plsc.load_gather(buf_v, [row, col], mask=active)
        val = jnp.where(active, val, neg)
        b0 = val > v0
        b1 = val > v1
        b2 = val > v2
        b3 = val > v3
        nv0 = jnp.where(b0, val, v0)
        ni0 = jnp.where(b0, pos, i0)
        nv1 = jnp.where(b0, v0, jnp.where(b1, val, v1))
        ni1 = jnp.where(b0, i0, jnp.where(b1, pos, i1))
        nv2 = jnp.where(b1, v1, jnp.where(b2, val, v2))
        ni2 = jnp.where(b1, i1, jnp.where(b2, pos, i2))
        nv3 = jnp.where(b2, v2, jnp.where(b3, val, v3))
        ni3 = jnp.where(b2, i2, jnp.where(b3, pos, i3))
        inc = active.astype(jnp.int32)
        pos = pos + inc
        fa = fa + inc
        return pos, fa, nv0, nv1, nv2, nv3, ni0, ni1, ni2, ni3

    def phase_cond(c):
        nl = c[0]
        return jnp.max(lend - nl) > 0

    def phase_body(c):
        nl, pos, e, v0, v1, v2, v3, i0, i1, i2, i3 = c
        brow = pos >> ROW_LOG2
        plsc.store_scatter(idx_v, [lane2], brow)
        plsc.store_scatter(idx_v, [lane2 + 1],
                           jnp.minimum(brow + 1, EP_ROWS - 1))
        pltpu.async_copy(ed_hbm.at[idx_v], buf_v, sem).wait()
        fa0 = (lane << (ROW_LOG2 + 1)) + pos - (brow << ROW_LOG2)

        def block(b, c2):
            nl, pos, fa, e, v0, v1, v2, v3, i0, i1, i2, i3 = c2
            done = (pos >= e) & (nl < lend)
            addr = nl * K
            plsc.store_scatter(ov_v, [addr], v0, mask=done)
            plsc.store_scatter(ov_v, [addr + 1], v1, mask=done)
            plsc.store_scatter(ov_v, [addr + 2], v2, mask=done)
            plsc.store_scatter(ov_v, [addr + 3], v3, mask=done)
            plsc.store_scatter(oi_v, [addr], i0, mask=done)
            plsc.store_scatter(oi_v, [addr + 1], i1, mask=done)
            plsc.store_scatter(oi_v, [addr + 2], i2, mask=done)
            plsc.store_scatter(oi_v, [addr + 3], i3, mask=done)
            nl = nl + done.astype(jnp.int32)
            eg = plsc.load_gather(rp_v, [off + nl + 1])
            at_end = nl >= lend
            e = jnp.where(done, jnp.where(at_end, pos, eg), e)
            v0 = jnp.where(done, neg, v0)
            v1 = jnp.where(done, neg, v1)
            v2 = jnp.where(done, neg, v2)
            v3 = jnp.where(done, neg, v3)
            i0 = jnp.where(done, mone, i0)
            i1 = jnp.where(done, mone, i1)
            i2 = jnp.where(done, mone, i2)
            i3 = jnp.where(done, mone, i3)
            st = (pos, fa, v0, v1, v2, v3, i0, i1, i2, i3)
            for _ in range(BLK):
                st = step(e, *st)
            pos, fa, v0, v1, v2, v3, i0, i1, i2, i3 = st
            return (nl, pos, fa, e, v0, v1, v2, v3, i0, i1, i2, i3)

        nl, pos, e, v0, v1, v2, v3, i0, i1, i2, i3 = c
        res = lax.fori_loop(
            0, PHASE_BLOCKS, block,
            (nl, pos, fa0, e, v0, v1, v2, v3, i0, i1, i2, i3))
        nl, pos, _, e, v0, v1, v2, v3, i0, i1, i2, i3 = res
        return (nl, pos, e, v0, v1, v2, v3, i0, i1, i2, i3)

    carry = (nl0, pos0, e0, neg, neg, neg, neg, mone, mone, mone, mone)
    lax.while_loop(phase_cond, phase_body, carry)

    pltpu.sync_copy(ov_v, outv_hbm.at[wid])
    pltpu.sync_copy(oi_v, outi_hbm.at[wid])


_sc_call = functools.partial(
    pl.kernel,
    mesh=plsc.VectorSubcoreMesh(core_axis_name="c", subcore_axis_name="s"),
    compiler_params=pltpu.CompilerParams(
        needs_layout_passes=False, use_tc_tiling_on_sc=False),
    out_type=[
        jax.ShapeDtypeStruct((NW, OUT_W), jnp.float32),
        jax.ShapeDtypeStruct((NW, OUT_W), jnp.int32),
    ],
    scratch_types=[
        pltpu.VMEM((RP_WIN,), jnp.int32),
        pltpu.VMEM((2 * L, ROW_W), jnp.float32),
        pltpu.VMEM((2 * L,), jnp.int32),
        pltpu.VMEM((OUT_W,), jnp.float32),
        pltpu.VMEM((OUT_W,), jnp.int32),
        pltpu.SemaphoreType.DMA,
    ],
)(_sc_topk)


@jax.jit
def kernel(row_ptr, edge_scores):
    rp32 = row_ptr.astype(jnp.int32)
    rp = jnp.concatenate(
        [rp32,
         jnp.broadcast_to(rp32[-1], (RP_PAD_LEN - (N_NODES + 1),))]
    )
    ed = edge_scores.reshape(EP_ROWS, ROW_W)
    outv, outi = _sc_call(rp, ed)
    vals = outv.reshape(NW, NPW_PAD, K)[:, :NPW, :].reshape(N_NODES, K)
    idxs = outi.reshape(NW, NPW_PAD, K)[:, :NPW, :].reshape(N_NODES, K)
    return vals, idxs.astype(jnp.int64)

# --- scband reference (transcript-rebuilt; emitter-appended) ---
"""Pipeline reference for scband-model-new-10522669875241 (READ-ONLY COPY).

The authoritative reference and input builder live on the scoring server;
editing this copy changes nothing except your own understanding.
"""

import jax, jax.numpy as jnp
import numpy as np

N_NODES = 100000
N_EDGES = 6400000
K = 4

def setup_inputs(seed: int = 0) -> dict:
    key = jax.random.key(seed)
    k1, k2 = jax.random.split(key)
    row_ptr = jnp.sort(jax.random.randint(k1, (N_NODES + 1,), 0, N_EDGES, dtype=jnp.int32))
    edge_scores = jax.random.normal(k2, (N_EDGES,), dtype=jnp.float32)
    return {"row_ptr": row_ptr, "edge_scores": edge_scores}

def reference(row_ptr, edge_scores):
    k = K
    E = edge_scores.shape[0]
    N = row_ptr.shape[0] - 1
    e = jnp.arange(E)
    # segment id of each edge: last row r with row_ptr[r] <= e (matches CSR semantics
    # of the CUDA kernel, including empty segments from duplicate row_ptr entries)
    seg = jnp.searchsorted(row_ptr, e, side='right') - 1
    valid = (seg >= 0) & (seg < N) & (e < row_ptr[N])
    seg_c = jnp.where(valid, seg, N)  # invalid edges routed out-of-bounds -> dropped
    # stable sort: primary key = segment asc, secondary = score desc; stability
    # preserves earlier-edge-wins-on-ties, matching the kernel's strict '>' compare
    order = jnp.lexsort((e, -edge_scores, seg_c))
    sseg = seg_c[order]
    rank = jnp.arange(E) - jnp.searchsorted(sseg, sseg, side='left')
    svals = edge_scores[order]
    sidx = order.astype(jnp.int64)
    rows = jnp.where(rank < k, sseg, N)
    cols = jnp.clip(rank, 0, k - 1)
    topk_vals = jnp.full((N, k), -jnp.inf, dtype=edge_scores.dtype).at[rows, cols].set(svals, mode='drop')
    topk_idx = jnp.full((N, k), -1, dtype=jnp.int64).at[rows, cols].set(sidx, mode='drop')
    return topk_vals, topk_idx

if __name__ == "__main__":
    import jax
    _d = setup_inputs()
    print(jax.jit(kernel)(*tuple(_d.values())))

</pallas_src>

<mosaic_0001>
#map = affine_map<(d0, d1) -> (0)>
#map1 = affine_map<(d0, d1) -> (0, 0)>
module attributes {stable_mosaic.version = 14 : i64} {
  func.func @_sc_topk(%arg0: i32, %arg1: i32, %arg2: memref<100024xi32, #tpu.memory_space<hbm>>, %arg3: memref<3125x2048xf32, #tpu.memory_space<hbm>>, %arg4: memref<32x12544xf32, #tpu.memory_space<hbm>>, %arg5: memref<32x12544xi32, #tpu.memory_space<hbm>>, %arg6: memref<3152xi32, #tpu.memory_space<vmem>>, %arg7: memref<32x2048xf32, #tpu.memory_space<vmem>>, %arg8: memref<32xi32, #tpu.memory_space<vmem>>, %arg9: memref<12544xf32, #tpu.memory_space<vmem>>, %arg10: memref<12544xi32, #tpu.memory_space<vmem>>, %arg11: memref<!tpu.dma_semaphore, #tpu.memory_space<semaphore_mem>>) attributes {dimension_semantics = [#tpu.dimension_semantics<core_parallel>, #tpu.dimension_semantics<subcore_parallel>], iteration_bounds = array<i64: 2, 16>, scalar_prefetch = 0 : i64, scratch_operands = 6 : i64, tpu.core_type = #tpu.core_type<sc_vector_subcore>, window_params = [{transform_indices = #map}, {transform_indices = #map1}, {transform_indices = #map1}, {transform_indices = #map1}]} {
    %mul3A = arith.constant 16 : i32
    %mul3A_0 = arith.muli %arg0, %mul3A : i32
    %add3A = arith.addi %mul3A_0, %arg1 : i32
    %mul3A_1 = arith.constant 3125 : i32
    %mul3A_2 = arith.muli %add3A, %mul3A_1 : i32
    %and3A = arith.constant -8 : i32
    %and3A_3 = arith.andi %mul3A_2, %and3A : i32
    %multiple_of3A = tpu.assume_multiple %and3A_3, 8 : i32
    %sub3A = arith.subi %mul3A_2, %multiple_of3A : i32
    "tpu.region"() ({
      %run_scoped3A = tpu.sem_alloc : memref<!tpu.dma_semaphore, #tpu.memory_space<semaphore_mem>>
      %dma_start3A = tpu.memref_slice %arg2[%multiple_of3A] : memref<100024xi32, #tpu.memory_space<hbm>> -> memref<3152xi32, #tpu.memory_space<hbm>>
      %dma_start3A_24 = tpu.memref_slice %arg2[%multiple_of3A] : memref<100024xi32, #tpu.memory_space<hbm>> -> memref<3152xi32, #tpu.memory_space<hbm>>
      tpu.enqueue_dma source(%dma_start3A_24 : memref<3152xi32, #tpu.memory_space<hbm>>) target(%arg6 : memref<3152xi32, #tpu.memory_space<vmem>>) target_semaphore(%run_scoped3A : memref<!tpu.dma_semaphore, #tpu.memory_space<semaphore_mem>>)
      %dma_wait3A = tpu.memref_slice %arg2[%multiple_of3A] : memref<100024xi32, #tpu.memory_space<hbm>> -> memref<3152xi32, #tpu.memory_space<hbm>>
      %dma_wait3A_25 = tpu.memref_slice %arg2[%multiple_of3A] : memref<100024xi32, #tpu.memory_space<hbm>> -> memref<3152xi32, #tpu.memory_space<hbm>>
      tpu.wait_dma2 semaphore(%run_scoped3A : memref<!tpu.dma_semaphore, #tpu.memory_space<semaphore_mem>>) src(%dma_wait3A_25 : memref<3152xi32, #tpu.memory_space<hbm>>) dst(%arg6 : memref<3152xi32, #tpu.memory_space<vmem>>)
      tpu.yield
    }) : () -> ()
    %iota3A = tpu.iota {dimensions = array<i32: 0>} : vector<16xi32>
    %mul3A_4 = arith.constant 2 : i32
    %mul3A_5 = vector.broadcast %mul3A_4 : i32 to vector<16xi32>
    %mul3A_6 = arith.muli %iota3A, %mul3A_5 : vector<16xi32>
    %broadcast_in_dim3A = arith.constant 0xFF800000 : f32
    %broadcast_in_dim3A_7 = vector.broadcast %broadcast_in_dim3A : f32 to vector<16xf32>
    %broadcast_in_dim3A_8 = arith.constant -1 : i32
    %broadcast_in_dim3A_9 = vector.broadcast %broadcast_in_dim3A_8 : i32 to vector<16xi32>
    %mul3A_10 = arith.constant 196 : i32
    %mul3A_11 = vector.broadcast %mul3A_10 : i32 to vector<16xi32>
    %mul3A_12 = arith.muli %iota3A, %mul3A_11 : vector<16xi32>
    %add3A_13 = arith.constant 196 : i32
    %add3A_14 = vector.broadcast %add3A_13 : i32 to vector<16xi32>
    %add3A_15 = arith.addi %mul3A_12, %add3A_14 : vector<16xi32>
    %add3A_16 = vector.broadcast %sub3A : i32 to vector<16xi32>
    %add3A_17 = arith.addi %add3A_16, %mul3A_12 : vector<16xi32>
    %gather3A = tpu.vector_load_idx %arg6[%add3A_17] : memref<3152xi32, #tpu.memory_space<vmem>>[vector<16xi32>], vector<16xi32>,
    %add3A_18 = vector.broadcast %sub3A : i32 to vector<16xi32>
    %add3A_19 = arith.addi %add3A_18, %mul3A_12 : vector<16xi32>
    %add3A_20 = arith.constant 1 : i32
    %add3A_21 = vector.broadcast %add3A_20 : i32 to vector<16xi32>
    %add3A_22 = arith.addi %add3A_19, %add3A_21 : vector<16xi32>
    %gather3A_23 = tpu.vector_load_idx %arg6[%add3A_22] : memref<3152xi32, #tpu.memory_space<vmem>>[vector<16xi32>], vector<16xi32>,
    %while3A:11 = scf.while (%while3A_24 = %mul3A_12, %while3A_25 = %gather3A, %while3A_26 = %gather3A_23, %while3A_27 = %broadcast_in_dim3A_7, %while3A_28 = %broadcast_in_dim3A_7, %while3A_29 = %broadcast_in_dim3A_7, %while3A_30 = %broadcast_in_dim3A_7, %while3A_31 = %broadcast_in_dim3A_9, %while3A_32 = %broadcast_in_dim3A_9, %while3A_33 = %broadcast_in_dim3A_9, %while3A_34 = %broadcast_in_dim3A_9) : (vector<16xi32>, vector<16xi32>, vector<16xi32>, vector<16xf32>, vector<16xf32>, vector<16xf32>, vector<16xf32>, vector<16xi32>, vector<16xi32>, vector<16xi32>, vector<16xi32>) -> (vector<16xi32>, vector<16xi32>, vector<16xi32>, vector<16xf32>, vector<16xf32>, vector<16xf32>, vector<16xf32>, vector<16xi32>, vector<16xi32>, vector<16xi32>, vector<16xi32>) {
      %sub3A_35 = arith.subi %add3A_15, %while3A_24 : vector<16xi32>
      %reduce_max3A = arith.constant true
      %reduce_max3A_36 = vector.broadcast %reduce_max3A : i1 to vector<16xi1>
      %reduce_max3A_37 = arith.constant -2147483648 : i32
      %reduce_max3A_38 = vector.broadcast %reduce_max3A_37 : i32 to vector<16xi32>
      %reduce_max3A_39 = arith.xori %sub3A_35, %reduce_max3A_38 : vector<16xi32>
      %reduce_max3A_40 = tpu.scan <max>, %reduce_max3A_39 masked %reduce_max3A_36 : vector<16xi32>, vector<16xi1> -> vector<16xi32>
      %reduce_max3A_41 = arith.xori %reduce_max3A_40, %reduce_max3A_38 : vector<16xi32>
      %reduce_max3A_42 = vector.extract %reduce_max3A_41[15] : i32 from vector<16xi32>
      %gt3A = arith.constant 0 : i32
      %gt3A_43 = arith.cmpi sgt, %reduce_max3A_42, %gt3A : i32
      scf.condition(%gt3A_43) %while3A_24, %while3A_25, %while3A_26, %while3A_27, %while3A_28, %while3A_29, %while3A_30, %while3A_31, %while3A_32, %while3A_33, %while3A_34 : vector<16xi32>, vector<16xi32>, vector<16xi32>, vector<16xf32>, vector<16xf32>, vector<16xf32>, vector<16xf32>, vector<16xi32>, vector<16xi32>, vector<16xi32>, vector<16xi32>
    } do {
    ^bb0(%while3A_24: vector<16xi32>, %while3A_25: vector<16xi32>, %while3A_26: vector<16xi32>, %while3A_27: vector<16xf32>, %while3A_28: vector<16xf32>, %while3A_29: vector<16xf32>, %while3A_30: vector<16xf32>, %while3A_31: vector<16xi32>, %while3A_32: vector<16xi32>, %while3A_33: vector<16xi32>, %while3A_34: vector<16xi32>):
      %shift_right_arithmetic3A = arith.constant 11 : i32
      %shift_right_arithmetic3A_35 = vector.broadcast %shift_right_arithmetic3A : i32 to vector<16xi32>
      %shift_right_arithmetic3A_36 = arith.shrsi %while3A_25, %shift_right_arithmetic3A_35 : vector<16xi32>
      tpu.vector_store_idx %arg8[%mul3A_6], %shift_right_arithmetic3A_36 : memref<32xi32, #tpu.memory_space<vmem>>[vector<16xi32>], vector<16xi32>,
      %add3A_37 = arith.constant 1 : i32
      %add3A_38 = vector.broadcast %add3A_37 : i32 to vector<16xi32>
      %add3A_39 = arith.addi %mul3A_6, %add3A_38 : vector<16xi32>
      %add3A_40 = arith.constant 1 : i32
      %add3A_41 = vector.broadcast %add3A_40 : i32 to vector<16xi32>
      %add3A_42 = arith.addi %shift_right_arithmetic3A_36, %add3A_41 : vector<16xi32>
      %min3A = arith.constant 3124 : i32
      %min3A_43 = vector.broadcast %min3A : i32 to vector<16xi32>
      %min3A_44 = arith.minsi %add3A_42, %min3A_43 : vector<16xi32>
      tpu.vector_store_idx %arg8[%add3A_39], %min3A_44 : memref<32xi32, #tpu.memory_space<vmem>>[vector<16xi32>], vector<16xi32>,
      %dma_start3A = arith.constant 0 : i32
      %dma_start3A_45 = arith.constant 0 : i32
      %dma_start3A_46 = tpu.memref_slice %arg3[%dma_start3A, %dma_start3A_45] : memref<3125x2048xf32, #tpu.memory_space<hbm>> -> memref<3125x2048xf32, #tpu.memory_space<hbm>>
      tpu.enqueue_indirect_dma source(%dma_start3A_46 : memref<3125x2048xf32, #tpu.memory_space<hbm>>) target(%arg7 : memref<32x2048xf32, #tpu.memory_space<vmem>>) offsets(%arg8 : memref<32xi32, #tpu.memory_space<vmem>>) semaphore(%arg11 : memref<!tpu.dma_semaphore, #tpu.memory_space<semaphore_mem>>)
      %dma_wait3A = arith.constant 0 : i32
      %dma_wait3A_47 = arith.constant 0 : i32
      %dma_wait3A_48 = tpu.memref_slice %arg3[%dma_wait3A, %dma_wait3A_47] : memref<3125x2048xf32, #tpu.memory_space<hbm>> -> memref<3125x2048xf32, #tpu.memory_space<hbm>>
      tpu.wait_indirect_dma semaphore(%arg11 : memref<!tpu.dma_semaphore, #tpu.memory_space<semaphore_mem>>) src(%dma_wait3A_48 : memref<3125x2048xf32, #tpu.memory_space<hbm>>) dst(%arg7 : memref<32x2048xf32, #tpu.memory_space<vmem>>)
      %shift_left3A = arith.constant 12 : i32
      %shift_left3A_49 = vector.broadcast %shift_left3A : i32 to vector<16xi32>
      %shift_left3A_50 = arith.shli %iota3A, %shift_left3A_49 : vector<16xi32>
      %add3A_51 = arith.addi %shift_left3A_50, %while3A_25 : vector<16xi32>
      %shift_left3A_52 = arith.constant 11 : i32
      %shift_left3A_53 = vector.broadcast %shift_left3A_52 : i32 to vector<16xi32>
      %shift_left3A_54 = arith.shli %shift_right_arithmetic3A_36, %shift_left3A_53 : vector<16xi32>
      %sub3A_55 = arith.subi %add3A_51, %shift_left3A_54 : vector<16xi32>
      %scan3A = arith.constant 0 : i32
      %scan3A_56 = arith.constant 128 : i32
      %scan3A_57 = arith.addi %scan3A, %scan3A_56 : i32
      %scan3A_58 = arith.constant 1 : i32
      %scan3A_59:12 = scf.for %scan3A_61 = %scan3A to %scan3A_57 step %scan3A_58 iter_args(%scan3A_62 = %while3A_24, %scan3A_63 = %while3A_25, %scan3A_64 = %sub3A_55, %scan3A_65 = %while3A_26, %scan3A_66 = %while3A_27, %scan3A_67 = %while3A_28, %scan3A_68 = %while3A_29, %scan3A_69 = %while3A_30, %scan3A_70 = %while3A_31, %scan3A_71 = %while3A_32, %scan3A_72 = %while3A_33, %scan3A_73 = %while3A_34) -> (vector<16xi32>, vector<16xi32>, vector<16xi32>, vector<16xi32>, vector<16xf32>, vector<16xf32>, vector<16xf32>, vector<16xf32>, vector<16xi32>, vector<16xi32>, vector<16xi32>, vector<16xi32>)  : i32 {
        %ge3A = arith.cmpi sge, %scan3A_63, %scan3A_65 : vector<16xi32>
        %lt3A = arith.cmpi slt, %scan3A_62, %add3A_15 : vector<16xi32>
        %and3A_74 = arith.andi %ge3A, %lt3A : vector<16xi1>
        %mul3A_75 = arith.constant 4 : i32
        %mul3A_76 = vector.broadcast %mul3A_75 : i32 to vector<16xi32>
        %mul3A_77 = arith.muli %scan3A_62, %mul3A_76 : vector<16xi32>
        tpu.vector_store_idx %arg9[%mul3A_77], %scan3A_66 masked %and3A_74 : memref<12544xf32, #tpu.memory_space<vmem>>[vector<16xi32>], vector<16xf32>, vector<16xi1>
        %add3A_78 = arith.constant 1 : i32
        %add3A_79 = vector.broadcast %add3A_78 : i32 to vector<16xi32>
        %add3A_80 = arith.addi %mul3A_77, %add3A_79 : vector<16xi32>
        tpu.vector_store_idx %arg9[%add3A_80], %scan3A_67 masked %and3A_74 : memref<12544xf32, #tpu.memory_space<vmem>>[vector<16xi32>], vector<16xf32>, vector<16xi1>
        %add3A_81 = arith.constant 2 : i32
        %add3A_82 = vector.broadcast %add3A_81 : i32 to vector<16xi32>
        %add3A_83 = arith.addi %mul3A_77, %add3A_82 : vector<16xi32>
        tpu.vector_store_idx %arg9[%add3A_83], %scan3A_68 masked %and3A_74 : memref<12544xf32, #tpu.memory_space<vmem>>[vector<16xi32>], vector<16xf32>, vector<16xi1>
        %add3A_84 = arith.constant 3 : i32
        %add3A_85 = vector.broadcast %add3A_84 : i32 to vector<16xi32>
        %add3A_86 = arith.addi %mul3A_77, %add3A_85 : vector<16xi32>
        tpu.vector_store_idx %arg9[%add3A_86], %scan3A_69 masked %and3A_74 : memref<12544xf32, #tpu.memory_space<vmem>>[vector<16xi32>], vector<16xf32>, vector<16xi1>
        tpu.vector_store_idx %arg10[%mul3A_77], %scan3A_70 masked %and3A_74 : memref<12544xi32, #tpu.memory_space<vmem>>[vector<16xi32>], vector<16xi32>, vector<16xi1>
        %add3A_87 = arith.constant 1 : i32
        %add3A_88 = vector.broadcast %add3A_87 : i32 to vector<16xi32>
        %add3A_89 = arith.addi %mul3A_77, %add3A_88 : vector<16xi32>
        tpu.vector_store_idx %arg10[%add3A_89], %scan3A_71 masked %and3A_74 : memref<12544xi32, #tpu.memory_space<vmem>>[vector<16xi32>], vector<16xi32>, vector<16xi1>
        %add3A_90 = arith.constant 2 : i32
        %add3A_91 = vector.broadcast %add3A_90 : i32 to vector<16xi32>
        %add3A_92 = arith.addi %mul3A_77, %add3A_91 : vector<16xi32>
        tpu.vector_store_idx %arg10[%add3A_92], %scan3A_72 masked %and3A_74 : memref<12544xi32, #tpu.memory_space<vmem>>[vector<16xi32>], vector<16xi32>, vector<16xi1>
        %add3A_93 = arith.constant 3 : i32
        %add3A_94 = vector.broadcast %add3A_93 : i32 to vector<16xi32>
        %add3A_95 = arith.addi %mul3A_77, %add3A_94 : vector<16xi32>
        tpu.vector_store_idx %arg10[%add3A_95], %scan3A_73 masked %and3A_74 : memref<12544xi32, #tpu.memory_space<vmem>>[vector<16xi32>], vector<16xi32>, vector<16xi1>
        %convert_element_type3A = arith.extui %and3A_74 : vector<16xi1> to vector<16xi32>
        %add3A_96 = arith.addi %scan3A_62, %convert_element_type3A : vector<16xi32>
        %add3A_97 = vector.broadcast %sub3A : i32 to vector<16xi32>
        %add3A_98 = arith.addi %add3A_97, %add3A_96 : vector<16xi32>
        %add3A_99 = arith.constant 1 : i32
        %add3A_100 = vector.broadcast %add3A_99 : i32 to vector<16xi32>
        %add3A_101 = arith.addi %add3A_98, %add3A_100 : vector<16xi32>
        %gather3A_102 = tpu.vector_load_idx %arg6[%add3A_101] : memref<3152xi32, #tpu.memory_space<vmem>>[vector<16xi32>], vector<16xi32>,
        %ge3A_103 = arith.cmpi sge, %add3A_96, %add3A_15 : vector<16xi32>
        %select_n3A = arith.select %ge3A_103, %scan3A_63, %gather3A_102 : vector<16xi1>, vector<16xi32>
        %select_n3A_104 = arith.select %and3A_74, %select_n3A, %scan3A_65 : vector<16xi1>, vector<16xi32>
        %select_n3A_105 = arith.select %and3A_74, %broadcast_in_dim3A_7, %scan3A_66 : vector<16xi1>, vector<16xf32>
        %select_n3A_106 = arith.select %and3A_74, %broadcast_in_dim3A_7, %scan3A_67 : vector<16xi1>, vector<16xf32>
        %select_n3A_107 = arith.select %and3A_74, %broadcast_in_dim3A_7, %scan3A_68 : vector<16xi1>, vector<16xf32>
        %select_n3A_108 = arith.select %and3A_74, %broadcast_in_dim3A_7, %scan3A_69 : vector<16xi1>, vector<16xf32>
        %select_n3A_109 = arith.select %and3A_74, %broadcast_in_dim3A_9, %scan3A_70 : vector<16xi1>, vector<16xi32>
        %select_n3A_110 = arith.select %and3A_74, %broadcast_in_dim3A_9, %scan3A_71 : vector<16xi1>, vector<16xi32>
        %select_n3A_111 = arith.select %and3A_74, %broadcast_in_dim3A_9, %scan3A_72 : vector<16xi1>, vector<16xi32>
        %select_n3A_112 = arith.select %and3A_74, %broadcast_in_dim3A_9, %scan3A_73 : vector<16xi1>, vector<16xi32>
        %lt3A_113 = arith.cmpi slt, %scan3A_63, %select_n3A_104 : vector<16xi32>
        %shift_right_arithmetic3A_114 = arith.constant 11 : i32
        %shift_right_arithmetic3A_115 = vector.broadcast %shift_right_arithmetic3A_114 : i32 to vector<16xi32>
        %shift_right_arithmetic3A_116 = arith.shrsi %scan3A_64, %shift_right_arithmetic3A_115 : vector<16xi32>
        %and3A_117 = arith.constant 2047 : i32
        %and3A_118 = vector.broadcast %and3A_117 : i32 to vector<16xi32>
        %and3A_119 = arith.andi %scan3A_64, %and3A_118 : vector<16xi32>
        %gather3A_120 = tpu.vector_load_idx %arg7[%shift_right_arithmetic3A_116, %and3A_119] masked %lt3A_113 : memref<32x2048xf32, #tpu.memory_space<vmem>>[vector<16xi32>, vector<16xi32>], vector<16xf32>, vector<16xi1>
        %select_n3A_121 = arith.select %lt3A_113, %gather3A_120, %broadcast_in_dim3A_7 : vector<16xi1>, vector<16xf32>
        %gt3A = arith.cmpf ogt, %select_n3A_121, %select_n3A_105 : vector<16xf32>
        %gt3A_122 = arith.cmpf ogt, %select_n3A_121, %select_n3A_106 : vector<16xf32>
        %gt3A_123 = arith.cmpf ogt, %select_n3A_121, %select_n3A_107 : vector<16xf32>
        %gt3A_124 = arith.cmpf ogt, %select_n3A_121, %select_n3A_108 : vector<16xf32>
        %select_n3A_125 = arith.select %gt3A, %select_n3A_121, %select_n3A_105 : vector<16xi1>, vector<16xf32>
        %select_n3A_126 = arith.select %gt3A, %scan3A_63, %select_n3A_109 : vector<16xi1>, vector<16xi32>
        %select_n3A_127 = arith.select %gt3A_122, %select_n3A_121, %select_n3A_106 : vector<16xi1>, vector<16xf32>
        %select_n3A_128 = arith.select %gt3A, %select_n3A_105, %select_n3A_127 : vector<16xi1>, vector<16xf32>
        %select_n3A_129 = arith.select %gt3A_122, %scan3A_63, %select_n3A_110 : vector<16xi1>, vector<16xi32>
        %select_n3A_130 = arith.select %gt3A, %select_n3A_109, %select_n3A_129 : vector<16xi1>, vector<16xi32>
        %select_n3A_131 = arith.select %gt3A_123, %select_n3A_121, %select_n3A_107 : vector<16xi1>, vector<16xf32>
        %select_n3A_132 = arith.select %gt3A_122, %select_n3A_106, %select_n3A_131 : vector<16xi1>, vector<16xf32>
        %select_n3A_133 = arith.select %gt3A_123, %scan3A_63, %select_n3A_111 : vector<16xi1>, vector<16xi32>
        %select_n3A_134 = arith.select %gt3A_122, %select_n3A_110, %select_n3A_133 : vector<16xi1>, vector<16xi32>
        %select_n3A_135 = arith.select %gt3A_124, %select_n3A_121, %select_n3A_108 : vector<16xi1>, vector<16xf32>
        %select_n3A_136 = arith.select %gt3A_123, %select_n3A_107, %select_n3A_135 : vector<16xi1>, vector<16xf32>
        %select_n3A_137 = arith.select %gt3A_124, %scan3A_63, %select_n3A_112 : vector<16xi1>, vector<16xi32>
        %select_n3A_138 = arith.select %gt3A_123, %select_n3A_111, %select_n3A_137 : vector<16xi1>, vector<16xi32>
        %convert_element_type3A_139 = arith.extui %lt3A_113 : vector<16xi1> to vector<16xi32>
        %add3A_140 = arith.addi %scan3A_63, %convert_element_type3A_139 : vector<16xi32>
        %add3A_141 = arith.addi %scan3A_64, %convert_element_type3A_139 : vector<16xi32>
        %lt3A_142 = arith.cmpi slt, %add3A_140, %select_n3A_104 : vector<16xi32>
        %shift_right_arithmetic3A_143 = arith.constant 11 : i32
        %shift_right_arithmetic3A_144 = vector.broadcast %shift_right_arithmetic3A_143 : i32 to vector<16xi32>
        %shift_right_arithmetic3A_145 = arith.shrsi %add3A_141, %shift_right_arithmetic3A_144 : vector<16xi32>
        %and3A_146 = arith.constant 2047 : i32
        %and3A_147 = vector.broadcast %and3A_146 : i32 to vector<16xi32>
        %and3A_148 = arith.andi %add3A_141, %and3A_147 : vector<16xi32>
        %gather3A_149 = tpu.vector_load_idx %arg7[%shift_right_arithmetic3A_145, %and3A_148] masked %lt3A_142 : memref<32x2048xf32, #tpu.memory_space<vmem>>[vector<16xi32>, vector<16xi32>], vector<16xf32>, vector<16xi1>
        %select_n3A_150 = arith.select %lt3A_142, %gather3A_149, %broadcast_in_dim3A_7 : vector<16xi1>, vector<16xf32>
        %gt3A_151 = arith.cmpf ogt, %select_n3A_150, %select_n3A_125 : vector<16xf32>
        %gt3A_152 = arith.cmpf ogt, %select_n3A_150, %select_n3A_128 : vector<16xf32>
        %gt3A_153 = arith.cmpf ogt, %select_n3A_150, %select_n3A_132 : vector<16xf32>
        %gt3A_154 = arith.cmpf ogt, %select_n3A_150, %select_n3A_136 : vector<16xf32>
        %select_n3A_155 = arith.select %gt3A_151, %select_n3A_150, %select_n3A_125 : vector<16xi1>, vector<16xf32>
        %select_n3A_156 = arith.select %gt3A_151, %add3A_140, %select_n3A_126 : vector<16xi1>, vector<16xi32>
        %select_n3A_157 = arith.select %gt3A_152, %select_n3A_150, %select_n3A_128 : vector<16xi1>, vector<16xf32>
        %select_n3A_158 = arith.select %gt3A_151, %select_n3A_125, %select_n3A_157 : vector<16xi1>, vector<16xf32>
        %select_n3A_159 = arith.select %gt3A_152, %add3A_140, %select_n3A_130 : vector<16xi1>, vector<16xi32>
        %select_n3A_160 = arith.select %gt3A_151, %select_n3A_126, %select_n3A_159 : vector<16xi1>, vector<16xi32>
        %select_n3A_161 = arith.select %gt3A_153, %select_n3A_150, %select_n3A_132 : vector<16xi1>, vector<16xf32>
        %select_n3A_162 = arith.select %gt3A_152, %select_n3A_128, %select_n3A_161 : vector<16xi1>, vector<16xf32>
        %select_n3A_163 = arith.select %gt3A_153, %add3A_140, %select_n3A_134 : vector<16xi1>, vector<16xi32>
        %select_n3A_164 = arith.select %gt3A_152, %select_n3A_130, %select_n3A_163 : vector<16xi1>, vector<16xi32>
        %select_n3A_165 = arith.select %gt3A_154, %select_n3A_150, %select_n3A_136 : vector<16xi1>, vector<16xf32>
        %select_n3A_166 = arith.select %gt3A_153, %select_n3A_132, %select_n3A_165 : vector<16xi1>, vector<16xf32>
        %select_n3A_167 = arith.select %gt3A_154, %add3A_140, %select_n3A_138 : vector<16xi1>, vector<16xi32>
        %select_n3A_168 = arith.select %gt3A_153, %select_n3A_134, %select_n3A_167 : vector<16xi1>, vector<16xi32>
        %convert_element_type3A_169 = arith.extui %lt3A_142 : vector<16xi1> to vector<16xi32>
        %add3A_170 = arith.addi %add3A_140, %convert_element_type3A_169 : vector<16xi32>
        %add3A_171 = arith.addi %add3A_141, %convert_element_type3A_169 : vector<16xi32>
        %lt3A_172 = arith.cmpi slt, %add3A_170, %select_n3A_104 : vector<16xi32>
        %shift_right_arithmetic3A_173 = arith.constant 11 : i32
        %shift_right_arithmetic3A_174 = vector.broadcast %shift_right_arithmetic3A_173 : i32 to vector<16xi32>
        %shift_right_arithmetic3A_175 = arith.shrsi %add3A_171, %shift_right_arithmetic3A_174 : vector<16xi32>
        %and3A_176 = arith.constant 2047 : i32
        %and3A_177 = vector.broadcast %and3A_176 : i32 to vector<16xi32>
        %and3A_178 = arith.andi %add3A_171, %and3A_177 : vector<16xi32>
        %gather3A_179 = tpu.vector_load_idx %arg7[%shift_right_arithmetic3A_175, %and3A_178] masked %lt3A_172 : memref<32x2048xf32, #tpu.memory_space<vmem>>[vector<16xi32>, vector<16xi32>], vector<16xf32>, vector<16xi1>
        %select_n3A_180 = arith.select %lt3A_172, %gather3A_179, %broadcast_in_dim3A_7 : vector<16xi1>, vector<16xf32>
        %gt3A_181 = arith.cmpf ogt, %select_n3A_180, %select_n3A_155 : vector<16xf32>
        %gt3A_182 = arith.cmpf ogt, %select_n3A_180, %select_n3A_158 : vector<16xf32>
        %gt3A_183 = arith.cmpf ogt, %select_n3A_180, %select_n3A_162 : vector<16xf32>
        %gt3A_184 = arith.cmpf ogt, %select_n3A_180, %select_n3A_166 : vector<16xf32>
        %select_n3A_185 = arith.select %gt3A_181, %select_n3A_180, %select_n3A_155 : vector<16xi1>, vector<16xf32>
        %select_n3A_186 = arith.select %gt3A_181, %add3A_170, %select_n3A_156 : vector<16xi1>, vector<16xi32>
        %select_n3A_187 = arith.select %gt3A_182, %select_n3A_180, %select_n3A_158 : vector<16xi1>, vector<16xf32>
        %select_n3A_188 = arith.select %gt3A_181, %select_n3A_155, %select_n3A_187 : vector<16xi1>, vector<16xf32>
        %select_n3A_189 = arith.select %gt3A_182, %add3A_170, %select_n3A_160 : vector<16xi1>, vector<16xi32>
        %select_n3A_190 = arith.select %gt3A_181, %select_n3A_156, %select_n3A_189 : vector<16xi1>, vector<16xi32>
        %select_n3A_191 = arith.select %gt3A_183, %select_n3A_180, %select_n3A_162 : vector<16xi1>, vector<16xf32>
        %select_n3A_192 = arith.select %gt3A_182, %select_n3A_158, %select_n3A_191 : vector<16xi1>, vector<16xf32>
        %select_n3A_193 = arith.select %gt3A_183, %add3A_170, %select_n3A_164 : vector<16xi1>, vector<16xi32>
        %select_n3A_194 = arith.select %gt3A_182, %select_n3A_160, %select_n3A_193 : vector<16xi1>, vector<16xi32>
        %select_n3A_195 = arith.select %gt3A_184, %select_n3A_180, %select_n3A_166 : vector<16xi1>, vector<16xf32>
        %select_n3A_196 = arith.select %gt3A_183, %select_n3A_162, %select_n3A_195 : vector<16xi1>, vector<16xf32>
        %select_n3A_197 = arith.select %gt3A_184, %add3A_170, %select_n3A_168 : vector<16xi1>, vector<16xi32>
        %select_n3A_198 = arith.select %gt3A_183, %select_n3A_164, %select_n3A_197 : vector<16xi1>, vector<16xi32>
        %convert_element_type3A_199 = arith.extui %lt3A_172 : vector<16xi1> to vector<16xi32>
        %add3A_200 = arith.addi %add3A_170, %convert_element_type3A_199 : vector<16xi32>
        %add3A_201 = arith.addi %add3A_171, %convert_element_type3A_199 : vector<16xi32>
        %lt3A_202 = arith.cmpi slt, %add3A_200, %select_n3A_104 : vector<16xi32>
        %shift_right_arithmetic3A_203 = arith.constant 11 : i32
        %shift_right_arithmetic3A_204 = vector.broadcast %shift_right_arithmetic3A_203 : i32 to vector<16xi32>
        %shift_right_arithmetic3A_205 = arith.shrsi %add3A_201, %shift_right_arithmetic3A_204 : vector<16xi32>
        %and3A_206 = arith.constant 2047 : i32
        %and3A_207 = vector.broadcast %and3A_206 : i32 to vector<16xi32>
        %and3A_208 = arith.andi %add3A_201, %and3A_207 : vector<16xi32>
        %gather3A_209 = tpu.vector_load_idx %arg7[%shift_right_arithmetic3A_205, %and3A_208] masked %lt3A_202 : memref<32x2048xf32, #tpu.memory_space<vmem>>[vector<16xi32>, vector<16xi32>], vector<16xf32>, vector<16xi1>
        %select_n3A_210 = arith.select %lt3A_202, %gather3A_209, %broadcast_in_dim3A_7 : vector<16xi1>, vector<16xf32>
        %gt3A_211 = arith.cmpf ogt, %select_n3A_210, %select_n3A_185 : vector<16xf32>
        %gt3A_212 = arith.cmpf ogt, %select_n3A_210, %select_n3A_188 : vector<16xf32>
        %gt3A_213 = arith.cmpf ogt, %select_n3A_210, %select_n3A_192 : vector<16xf32>
        %gt3A_214 = arith.cmpf ogt, %select_n3A_210, %select_n3A_196 : vector<16xf32>
        %select_n3A_215 = arith.select %gt3A_211, %select_n3A_210, %select_n3A_185 : vector<16xi1>, vector<16xf32>
        %select_n3A_216 = arith.select %gt3A_211, %add3A_200, %select_n3A_186 : vector<16xi1>, vector<16xi32>
        %select_n3A_217 = arith.select %gt3A_212, %select_n3A_210, %select_n3A_188 : vector<16xi1>, vector<16xf32>
        %select_n3A_218 = arith.select %gt3A_211, %select_n3A_185, %select_n3A_217 : vector<16xi1>, vector<16xf32>
        %select_n3A_219 = arith.select %gt3A_212, %add3A_200, %select_n3A_190 : vector<16xi1>, vector<16xi32>
        %select_n3A_220 = arith.select %gt3A_211, %select_n3A_186, %select_n3A_219 : vector<16xi1>, vector<16xi32>
        %select_n3A_221 = arith.select %gt3A_213, %select_n3A_210, %select_n3A_192 : vector<16xi1>, vector<16xf32>
        %select_n3A_222 = arith.select %gt3A_212, %select_n3A_188, %select_n3A_221 : vector<16xi1>, vector<16xf32>
        %select_n3A_223 = arith.select %gt3A_213, %add3A_200, %select_n3A_194 : vector<16xi1>, vector<16xi32>
        %select_n3A_224 = arith.select %gt3A_212, %select_n3A_190, %select_n3A_223 : vector<16xi1>, vector<16xi32>
        %select_n3A_225 = arith.select %gt3A_214, %select_n3A_210, %select_n3A_196 : vector<16xi1>, vector<16xf32>
        %select_n3A_226 = arith.select %gt3A_213, %select_n3A_192, %select_n3A_225 : vector<16xi1>, vector<16xf32>
        %select_n3A_227 = arith.select %gt3A_214, %add3A_200, %select_n3A_198 : vector<16xi1>, vector<16xi32>
        %select_n3A_228 = arith.select %gt3A_213, %select_n3A_194, %select_n3A_227 : vector<16xi1>, vector<16xi32>
        %convert_element_type3A_229 = arith.extui %lt3A_202 : vector<16xi1> to vector<16xi32>
        %add3A_230 = arith.addi %add3A_200, %convert_element_type3A_229 : vector<16xi32>
        %add3A_231 = arith.addi %add3A_201, %convert_element_type3A_229 : vector<16xi32>
        %lt3A_232 = arith.cmpi slt, %add3A_230, %select_n3A_104 : vector<16xi32>
        %shift_right_arithmetic3A_233 = arith.constant 11 : i32
        %shift_right_arithmetic3A_234 = vector.broadcast %shift_right_arithmetic3A_233 : i32 to vector<16xi32>
        %shift_right_arithmetic3A_235 = arith.shrsi %add3A_231, %shift_right_arithmetic3A_234 : vector<16xi32>
        %and3A_236 = arith.constant 2047 : i32
        %and3A_237 = vector.broadcast %and3A_236 : i32 to vector<16xi32>
        %and3A_238 = arith.andi %add3A_231, %and3A_237 : vector<16xi32>
        %gather3A_239 = tpu.vector_load_idx %arg7[%shift_right_arithmetic3A_235, %and3A_238] masked %lt3A_232 : memref<32x2048xf32, #tpu.memory_space<vmem>>[vector<16xi32>, vector<16xi32>], vector<16xf32>, vector<16xi1>
        %select_n3A_240 = arith.select %lt3A_232, %gather3A_239, %broadcast_in_dim3A_7 : vector<16xi1>, vector<16xf32>
        %gt3A_241 = arith.cmpf ogt, %select_n3A_240, %select_n3A_215 : vector<16xf32>
        %gt3A_242 = arith.cmpf ogt, %select_n3A_240, %select_n3A_218 : vector<16xf32>
        %gt3A_243 = arith.cmpf ogt, %select_n3A_240, %select_n3A_222 : vector<16xf32>
        %gt3A_244 = arith.cmpf ogt, %select_n3A_240, %select_n3A_226 : vector<16xf32>
        %select_n3A_245 = arith.select %gt3A_241, %select_n3A_240, %select_n3A_215 : vector<16xi1>, vector<16xf32>
        %select_n3A_246 = arith.select %gt3A_241, %add3A_230, %select_n3A_216 : vector<16xi1>, vector<16xi32>
        %select_n3A_247 = arith.select %gt3A_242, %select_n3A_240, %select_n3A_218 : vector<16xi1>, vector<16xf32>
        %select_n3A_248 = arith.select %gt3A_241, %select_n3A_215, %select_n3A_247 : vector<16xi1>, vector<16xf32>
        %select_n3A_249 = arith.select %gt3A_242, %add3A_230, %select_n3A_220 : vector<16xi1>, vector<16xi32>
        %select_n3A_250 = arith.select %gt3A_241, %select_n3A_216, %select_n3A_249 : vector<16xi1>, vector<16xi32>
        %select_n3A_251 = arith.select %gt3A_243, %select_n3A_240, %select_n3A_222 : vector<16xi1>, vector<16xf32>
        %select_n3A_252 = arith.select %gt3A_242, %select_n3A_218, %select_n3A_251 : vector<16xi1>, vector<16xf32>
        %select_n3A_253 = arith.select %gt3A_243, %add3A_230, %select_n3A_224 : vector<16xi1>, vector<16xi32>
        %select_n3A_254 = arith.select %gt3A_242, %select_n3A_220, %select_n3A_253 : vector<16xi1>, vector<16xi32>
        %select_n3A_255 = arith.select %gt3A_244, %select_n3A_240, %select_n3A_226 : vector<16xi1>, vector<16xf32>
        %select_n3A_256 = arith.select %gt3A_243, %select_n3A_222, %select_n3A_255 : vector<16xi1>, vector<16xf32>
        %select_n3A_257 = arith.select %gt3A_244, %add3A_230, %select_n3A_228 : vector<16xi1>, vector<16xi32>
        %select_n3A_258 = arith.select %gt3A_243, %select_n3A_224, %select_n3A_257 : vector<16xi1>, vector<16xi32>
        %convert_element_type3A_259 = arith.extui %lt3A_232 : vector<16xi1> to vector<16xi32>
        %add3A_260 = arith.addi %add3A_230, %convert_element_type3A_259 : vector<16xi32>
        %add3A_261 = arith.addi %add3A_231, %convert_element_type3A_259 : vector<16xi32>
        %lt3A_262 = arith.cmpi slt, %add3A_260, %select_n3A_104 : vector<16xi32>
        %shift_right_arithmetic3A_263 = arith.constant 11 : i32
        %shift_right_arithmetic3A_264 = vector.broadcast %shift_right_arithmetic3A_263 : i32 to vector<16xi32>
        %shift_right_arithmetic3A_265 = arith.shrsi %add3A_261, %shift_right_arithmetic3A_264 : vector<16xi32>
        %and3A_266 = arith.constant 2047 : i32
        %and3A_267 = vector.broadcast %and3A_266 : i32 to vector<16xi32>
        %and3A_268 = arith.andi %add3A_261, %and3A_267 : vector<16xi32>
        %gather3A_269 = tpu.vector_load_idx %arg7[%shift_right_arithmetic3A_265, %and3A_268] masked %lt3A_262 : memref<32x2048xf32, #tpu.memory_space<vmem>>[vector<16xi32>, vector<16xi32>], vector<16xf32>, vector<16xi1>
        %select_n3A_270 = arith.select %lt3A_262, %gather3A_269, %broadcast_in_dim3A_7 : vector<16xi1>, vector<16xf32>
        %gt3A_271 = arith.cmpf ogt, %select_n3A_270, %select_n3A_245 : vector<16xf32>
        %gt3A_272 = arith.cmpf ogt, %select_n3A_270, %select_n3A_248 : vector<16xf32>
        %gt3A_273 = arith.cmpf ogt, %select_n3A_270, %select_n3A_252 : vector<16xf32>
        %gt3A_274 = arith.cmpf ogt, %select_n3A_270, %select_n3A_256 : vector<16xf32>
        %select_n3A_275 = arith.select %gt3A_271, %select_n3A_270, %select_n3A_245 : vector<16xi1>, vector<16xf32>
        %select_n3A_276 = arith.select %gt3A_271, %add3A_260, %select_n3A_246 : vector<16xi1>, vector<16xi32>
        %select_n3A_277 = arith.select %gt3A_272, %select_n3A_270, %select_n3A_248 : vector<16xi1>, vector<16xf32>
        %select_n3A_278 = arith.select %gt3A_271, %select_n3A_245, %select_n3A_277 : vector<16xi1>, vector<16xf32>
        %select_n3A_279 = arith.select %gt3A_272, %add3A_260, %select_n3A_250 : vector<16xi1>, vector<16xi32>
        %select_n3A_280 = arith.select %gt3A_271, %select_n3A_246, %select_n3A_279 : vector<16xi1>, vector<16xi32>
        %select_n3A_281 = arith.select %gt3A_273, %select_n3A_270, %select_n3A_252 : vector<16xi1>, vector<16xf32>
        %select_n3A_282 = arith.select %gt3A_272, %select_n3A_248, %select_n3A_281 : vector<16xi1>, vector<16xf32>
        %select_n3A_283 = arith.select %gt3A_273, %add3A_260, %select_n3A_254 : vector<16xi1>, vector<16xi32>
        %select_n3A_284 = arith.select %gt3A_272, %select_n3A_250, %select_n3A_283 : vector<16xi1>, vector<16xi32>
        %select_n3A_285 = arith.select %gt3A_274, %select_n3A_270, %select_n3A_256 : vector<16xi1>, vector<16xf32>
        %select_n3A_286 = arith.select %gt3A_273, %select_n3A_252, %select_n3A_285 : vector<16xi1>, vector<16xf32>
        %select_n3A_287 = arith.select %gt3A_274, %add3A_260, %select_n3A_258 : vector<16xi1>, vector<16xi32>
        %select_n3A_288 = arith.select %gt3A_273, %select_n3A_254, %select_n3A_287 : vector<16xi1>, vector<16xi32>
        %convert_element_type3A_289 = arith.extui %lt3A_262 : vector<16xi1> to vector<16xi32>
        %add3A_290 = arith.addi %add3A_260, %convert_element_type3A_289 : vector<16xi32>
        %add3A_291 = arith.addi %add3A_261, %convert_element_type3A_289 : vector<16xi32>
        %lt3A_292 = arith.cmpi slt, %add3A_290, %select_n3A_104 : vector<16xi32>
        %shift_right_arithmetic3A_293 = arith.constant 11 : i32
        %shift_right_arithmetic3A_294 = vector.broadcast %shift_right_arithmetic3A_293 : i32 to vector<16xi32>
        %shift_right_arithmetic3A_295 = arith.shrsi %add3A_291, %shift_right_arithmetic3A_294 : vector<16xi32>
        %and3A_296 = arith.constant 2047 : i32
        %and3A_297 = vector.broadcast %and3A_296 : i32 to vector<16xi32>
        %and3A_298 = arith.andi %add3A_291, %and3A_297 : vector<16xi32>
        %gather3A_299 = tpu.vector_load_idx %arg7[%shift_right_arithmetic3A_295, %and3A_298] masked %lt3A_292 : memref<32x2048xf32, #tpu.memory_space<vmem>>[vector<16xi32>, vector<16xi32>], vector<16xf32>, vector<16xi1>
        %select_n3A_300 = arith.select %lt3A_292, %gather3A_299, %broadcast_in_dim3A_7 : vector<16xi1>, vector<16xf32>
        %gt3A_301 = arith.cmpf ogt, %select_n3A_300, %select_n3A_275 : vector<16xf32>
        %gt3A_302 = arith.cmpf ogt, %select_n3A_300, %select_n3A_278 : vector<16xf32>
        %gt3A_303 = arith.cmpf ogt, %select_n3A_300, %select_n3A_282 : vector<16xf32>
        %gt3A_304 = arith.cmpf ogt, %select_n3A_300, %select_n3A_286 : vector<16xf32>
        %select_n3A_305 = arith.select %gt3A_301, %select_n3A_300, %select_n3A_275 : vector<16xi1>, vector<16xf32>
        %select_n3A_306 = arith.select %gt3A_301, %add3A_290, %select_n3A_276 : vector<16xi1>, vector<16xi32>
        %select_n3A_307 = arith.select %gt3A_302, %select_n3A_300, %select_n3A_278 : vector<16xi1>, vector<16xf32>
        %select_n3A_308 = arith.select %gt3A_301, %select_n3A_275, %select_n3A_307 : vector<16xi1>, vector<16xf32>
        %select_n3A_309 = arith.select %gt3A_302, %add3A_290, %select_n3A_280 : vector<16xi1>, vector<16xi32>
        %select_n3A_310 = arith.select %gt3A_301, %select_n3A_276, %select_n3A_309 : vector<16xi1>, vector<16xi32>
        %select_n3A_311 = arith.select %gt3A_303, %select_n3A_300, %select_n3A_282 : vector<16xi1>, vector<16xf32>
        %select_n3A_312 = arith.select %gt3A_302, %select_n3A_278, %select_n3A_311 : vector<16xi1>, vector<16xf32>
        %select_n3A_313 = arith.select %gt3A_303, %add3A_290, %select_n3A_284 : vector<16xi1>, vector<16xi32>
        %select_n3A_314 = arith.select %gt3A_302, %select_n3A_280, %select_n3A_313 : vector<16xi1>, vector<16xi32>
        %select_n3A_315 = arith.select %gt3A_304, %select_n3A_300, %select_n3A_286 : vector<16xi1>, vector<16xf32>
        %select_n3A_316 = arith.select %gt3A_303, %select_n3A_282, %select_n3A_315 : vector<16xi1>, vector<16xf32>
        %select_n3A_317 = arith.select %gt3A_304, %add3A_290, %select_n3A_288 : vector<16xi1>, vector<16xi32>
        %select_n3A_318 = arith.select %gt3A_303, %select_n3A_284, %select_n3A_317 : vector<16xi1>, vector<16xi32>
        %convert_element_type3A_319 = arith.extui %lt3A_292 : vector<16xi1> to vector<16xi32>
        %add3A_320 = arith.addi %add3A_290, %convert_element_type3A_319 : vector<16xi32>
        %add3A_321 = arith.addi %add3A_291, %convert_element_type3A_319 : vector<16xi32>
        %lt3A_322 = arith.cmpi slt, %add3A_320, %select_n3A_104 : vector<16xi32>
        %shift_right_arithmetic3A_323 = arith.constant 11 : i32
        %shift_right_arithmetic3A_324 = vector.broadcast %shift_right_arithmetic3A_323 : i32 to vector<16xi32>
        %shift_right_arithmetic3A_325 = arith.shrsi %add3A_321, %shift_right_arithmetic3A_324 : vector<16xi32>
        %and3A_326 = arith.constant 2047 : i32
        %and3A_327 = vector.broadcast %and3A_326 : i32 to vector<16xi32>
        %and3A_328 = arith.andi %add3A_321, %and3A_327 : vector<16xi32>
        %gather3A_329 = tpu.vector_load_idx %arg7[%shift_right_arithmetic3A_325, %and3A_328] masked %lt3A_322 : memref<32x2048xf32, #tpu.memory_space<vmem>>[vector<16xi32>, vector<16xi32>], vector<16xf32>, vector<16xi1>
        %select_n3A_330 = arith.select %lt3A_322, %gather3A_329, %broadcast_in_dim3A_7 : vector<16xi1>, vector<16xf32>
        %gt3A_331 = arith.cmpf ogt, %select_n3A_330, %select_n3A_305 : vector<16xf32>
        %gt3A_332 = arith.cmpf ogt, %select_n3A_330, %select_n3A_308 : vector<16xf32>
        %gt3A_333 = arith.cmpf ogt, %select_n3A_330, %select_n3A_312 : vector<16xf32>
        %gt3A_334 = arith.cmpf ogt, %select_n3A_330, %select_n3A_316 : vector<16xf32>
        %select_n3A_335 = arith.select %gt3A_331, %select_n3A_330, %select_n3A_305 : vector<16xi1>, vector<16xf32>
        %select_n3A_336 = arith.select %gt3A_331, %add3A_320, %select_n3A_306 : vector<16xi1>, vector<16xi32>
        %select_n3A_337 = arith.select %gt3A_332, %select_n3A_330, %select_n3A_308 : vector<16xi1>, vector<16xf32>
        %select_n3A_338 = arith.select %gt3A_331, %select_n3A_305, %select_n3A_337 : vector<16xi1>, vector<16xf32>
        %select_n3A_339 = arith.select %gt3A_332, %add3A_320, %select_n3A_310 : vector<16xi1>, vector<16xi32>
        %select_n3A_340 = arith.select %gt3A_331, %select_n3A_306, %select_n3A_339 : vector<16xi1>, vector<16xi32>
        %select_n3A_341 = arith.select %gt3A_333, %select_n3A_330, %select_n3A_312 : vector<16xi1>, vector<16xf32>
        %select_n3A_342 = arith.select %gt3A_332, %select_n3A_308, %select_n3A_341 : vector<16xi1>, vector<16xf32>
        %select_n3A_343 = arith.select %gt3A_333, %add3A_320, %select_n3A_314 : vector<16xi1>, vector<16xi32>
        %select_n3A_344 = arith.select %gt3A_332, %select_n3A_310, %select_n3A_343 : vector<16xi1>, vector<16xi32>
        %select_n3A_345 = arith.select %gt3A_334, %select_n3A_330, %select_n3A_316 : vector<16xi1>, vector<16xf32>
        %select_n3A_346 = arith.select %gt3A_333, %select_n3A_312, %select_n3A_345 : vector<16xi1>, vector<16xf32>
        %select_n3A_347 = arith.select %gt3A_334, %add3A_320, %select_n3A_318 : vector<16xi1>, vector<16xi32>
        %select_n3A_348 = arith.select %gt3A_333, %select_n3A_314, %select_n3A_347 : vector<16xi1>, vector<16xi32>
        %convert_element_type3A_349 = arith.extui %lt3A_322 : vector<16xi1> to vector<16xi32>
        %add3A_350 = arith.addi %add3A_320, %convert_element_type3A_349 : vector<16xi32>
        %add3A_351 = arith.addi %add3A_321, %convert_element_type3A_349 : vector<16xi32>
        %lt3A_352 = arith.cmpi slt, %add3A_350, %select_n3A_104 : vector<16xi32>
        %shift_right_arithmetic3A_353 = arith.constant 11 : i32
        %shift_right_arithmetic3A_354 = vector.broadcast %shift_right_arithmetic3A_353 : i32 to vector<16xi32>
        %shift_right_arithmetic3A_355 = arith.shrsi %add3A_351, %shift_right_arithmetic3A_354 : vector<16xi32>
        %and3A_356 = arith.constant 2047 : i32
        %and3A_357 = vector.broadcast %and3A_356 : i32 to vector<16xi32>
        %and3A_358 = arith.andi %add3A_351, %and3A_357 : vector<16xi32>
        %gather3A_359 = tpu.vector_load_idx %arg7[%shift_right_arithmetic3A_355, %and3A_358] masked %lt3A_352 : memref<32x2048xf32, #tpu.memory_space<vmem>>[vector<16xi32>, vector<16xi32>], vector<16xf32>, vector<16xi1>
        %select_n3A_360 = arith.select %lt3A_352, %gather3A_359, %broadcast_in_dim3A_7 : vector<16xi1>, vector<16xf32>
        %gt3A_361 = arith.cmpf ogt, %select_n3A_360, %select_n3A_335 : vector<16xf32>
        %gt3A_362 = arith.cmpf ogt, %select_n3A_360, %select_n3A_338 : vector<16xf32>
        %gt3A_363 = arith.cmpf ogt, %select_n3A_360, %select_n3A_342 : vector<16xf32>
        %gt3A_364 = arith.cmpf ogt, %select_n3A_360, %select_n3A_346 : vector<16xf32>
        %select_n3A_365 = arith.select %gt3A_361, %select_n3A_360, %select_n3A_335 : vector<16xi1>, vector<16xf32>
        %select_n3A_366 = arith.select %gt3A_361, %add3A_350, %select_n3A_336 : vector<16xi1>, vector<16xi32>
        %select_n3A_367 = arith.select %gt3A_362, %select_n3A_360, %select_n3A_338 : vector<16xi1>, vector<16xf32>
        %select_n3A_368 = arith.select %gt3A_361, %select_n3A_335, %select_n3A_367 : vector<16xi1>, vector<16xf32>
        %select_n3A_369 = arith.select %gt3A_362, %add3A_350, %select_n3A_340 : vector<16xi1>, vector<16xi32>
        %select_n3A_370 = arith.select %gt3A_361, %select_n3A_336, %select_n3A_369 : vector<16xi1>, vector<16xi32>
        %select_n3A_371 = arith.select %gt3A_363, %select_n3A_360, %select_n3A_342 : vector<16xi1>, vector<16xf32>
        %select_n3A_372 = arith.select %gt3A_362, %select_n3A_338, %select_n3A_371 : vector<16xi1>, vector<16xf32>
        %select_n3A_373 = arith.select %gt3A_363, %add3A_350, %select_n3A_344 : vector<16xi1>, vector<16xi32>
        %select_n3A_374 = arith.select %gt3A_362, %select_n3A_340, %select_n3A_373 : vector<16xi1>, vector<16xi32>
        %select_n3A_375 = arith.select %gt3A_364, %select_n3A_360, %select_n3A_346 : vector<16xi1>, vector<16xf32>
        %select_n3A_376 = arith.select %gt3A_363, %select_n3A_342, %select_n3A_375 : vector<16xi1>, vector<16xf32>
        %select_n3A_377 = arith.select %gt3A_364, %add3A_350, %select_n3A_348 : vector<16xi1>, vector<16xi32>
        %select_n3A_378 = arith.select %gt3A_363, %select_n3A_344, %select_n3A_377 : vector<16xi1>, vector<16xi32>
        %convert_element_type3A_379 = arith.extui %lt3A_352 : vector<16xi1> to vector<16xi32>
        %add3A_380 = arith.addi %add3A_350, %convert_element_type3A_379 : vector<16xi32>
        %add3A_381 = arith.addi %add3A_351, %convert_element_type3A_379 : vector<16xi32>
        %lt3A_382 = arith.cmpi slt, %add3A_380, %select_n3A_104 : vector<16xi32>
        %shift_right_arithmetic3A_383 = arith.constant 11 : i32
        %shift_right_arithmetic3A_384 = vector.broadcast %shift_right_arithmetic3A_383 : i32 to vector<16xi32>
        %shift_right_arithmetic3A_385 = arith.shrsi %add3A_381, %shift_right_arithmetic3A_384 : vector<16xi32>
        %and3A_386 = arith.constant 2047 : i32
        %and3A_387 = vector.broadcast %and3A_386 : i32 to vector<16xi32>
        %and3A_388 = arith.andi %add3A_381, %and3A_387 : vector<16xi32>
        %gather3A_389 = tpu.vector_load_idx %arg7[%shift_right_arithmetic3A_385, %and3A_388] masked %lt3A_382 : memref<32x2048xf32, #tpu.memory_space<vmem>>[vector<16xi32>, vector<16xi32>], vector<16xf32>, vector<16xi1>
        %select_n3A_390 = arith.select %lt3A_382, %gather3A_389, %broadcast_in_dim3A_7 : vector<16xi1>, vector<16xf32>
        %gt3A_391 = arith.cmpf ogt, %select_n3A_390, %select_n3A_365 : vector<16xf32>
        %gt3A_392 = arith.cmpf ogt, %select_n3A_390, %select_n3A_368 : vector<16xf32>
        %gt3A_393 = arith.cmpf ogt, %select_n3A_390, %select_n3A_372 : vector<16xf32>
        %gt3A_394 = arith.cmpf ogt, %select_n3A_390, %select_n3A_376 : vector<16xf32>
        %select_n3A_395 = arith.select %gt3A_391, %select_n3A_390, %select_n3A_365 : vector<16xi1>, vector<16xf32>
        %select_n3A_396 = arith.select %gt3A_391, %add3A_380, %select_n3A_366 : vector<16xi1>, vector<16xi32>
        %select_n3A_397 = arith.select %gt3A_392, %select_n3A_390, %select_n3A_368 : vector<16xi1>, vector<16xf32>
        %select_n3A_398 = arith.select %gt3A_391, %select_n3A_365, %select_n3A_397 : vector<16xi1>, vector<16xf32>
        %select_n3A_399 = arith.select %gt3A_392, %add3A_380, %select_n3A_370 : vector<16xi1>, vector<16xi32>
        %select_n3A_400 = arith.select %gt3A_391, %select_n3A_366, %select_n3A_399 : vector<16xi1>, vector<16xi32>
        %select_n3A_401 = arith.select %gt3A_393, %select_n3A_390, %select_n3A_372 : vector<16xi1>, vector<16xf32>
        %select_n3A_402 = arith.select %gt3A_392, %select_n3A_368, %select_n3A_401 : vector<16xi1>, vector<16xf32>
        %select_n3A_403 = arith.select %gt3A_393, %add3A_380, %select_n3A_374 : vector<16xi1>, vector<16xi32>
        %select_n3A_404 = arith.select %gt3A_392, %select_n3A_370, %select_n3A_403 : vector<16xi1>, vector<16xi32>
        %select_n3A_405 = arith.select %gt3A_394, %select_n3A_390, %select_n3A_376 : vector<16xi1>, vector<16xf32>
        %select_n3A_406 = arith.select %gt3A_393, %select_n3A_372, %select_n3A_405 : vector<16xi1>, vector<16xf32>
        %select_n3A_407 = arith.select %gt3A_394, %add3A_380, %select_n3A_378 : vector<16xi1>, vector<16xi32>
        %select_n3A_408 = arith.select %gt3A_393, %select_n3A_374, %select_n3A_407 : vector<16xi1>, vector<16xi32>
        %convert_element_type3A_409 = arith.extui %lt3A_382 : vector<16xi1> to vector<16xi32>
        %add3A_410 = arith.addi %add3A_380, %convert_element_type3A_409 : vector<16xi32>
        %add3A_411 = arith.addi %add3A_381, %convert_element_type3A_409 : vector<16xi32>
        %lt3A_412 = arith.cmpi slt, %add3A_410, %select_n3A_104 : vector<16xi32>
        %shift_right_arithmetic3A_413 = arith.constant 11 : i32
        %shift_right_arithmetic3A_414 = vector.broadcast %shift_right_arithmetic3A_413 : i32 to vector<16xi32>
        %shift_right_arithmetic3A_415 = arith.shrsi %add3A_411, %shift_right_arithmetic3A_414 : vector<16xi32>
        %and3A_416 = arith.constant 2047 : i32
        %and3A_417 = vector.broadcast %and3A_416 : i32 to vector<16xi32>
        %and3A_418 = arith.andi %add3A_411, %and3A_417 : vector<16xi32>
        %gather3A_419 = tpu.vector_load_idx %arg7[%shift_right_arithmetic3A_415, %and3A_418] masked %lt3A_412 : memref<32x2048xf32, #tpu.memory_space<vmem>>[vector<16xi32>, vector<16xi32>], vector<16xf32>, vector<16xi1>
        %select_n3A_420 = arith.select %lt3A_412, %gather3A_419, %broadcast_in_dim3A_7 : vector<16xi1>, vector<16xf32>
        %gt3A_421 = arith.cmpf ogt, %select_n3A_420, %select_n3A_395 : vector<16xf32>
        %gt3A_422 = arith.cmpf ogt, %select_n3A_420, %select_n3A_398 : vector<16xf32>
        %gt3A_423 = arith.cmpf ogt, %select_n3A_420, %select_n3A_402 : vector<16xf32>
        %gt3A_424 = arith.cmpf ogt, %select_n3A_420, %select_n3A_406 : vector<16xf32>
        %select_n3A_425 = arith.select %gt3A_421, %select_n3A_420, %select_n3A_395 : vector<16xi1>, vector<16xf32>
        %select_n3A_426 = arith.select %gt3A_421, %add3A_410, %select_n3A_396 : vector<16xi1>, vector<16xi32>
        %select_n3A_427 = arith.select %gt3A_422, %select_n3A_420, %select_n3A_398 : vector<16xi1>, vector<16xf32>
        %select_n3A_428 = arith.select %gt3A_421, %select_n3A_395, %select_n3A_427 : vector<16xi1>, vector<16xf32>
        %select_n3A_429 = arith.select %gt3A_422, %add3A_410, %select_n3A_400 : vector<16xi1>, vector<16xi32>
        %select_n3A_430 = arith.select %gt3A_421, %select_n3A_396, %select_n3A_429 : vector<16xi1>, vector<16xi32>
        %select_n3A_431 = arith.select %gt3A_423, %select_n3A_420, %select_n3A_402 : vector<16xi1>, vector<16xf32>
        %select_n3A_432 = arith.select %gt3A_422, %select_n3A_398, %select_n3A_431 : vector<16xi1>, vector<16xf32>
        %select_n3A_433 = arith.select %gt3A_423, %add3A_410, %select_n3A_404 : vector<16xi1>, vector<16xi32>
        %select_n3A_434 = arith.select %gt3A_422, %select_n3A_400, %select_n3A_433 : vector<16xi1>, vector<16xi32>
        %select_n3A_435 = arith.select %gt3A_424, %select_n3A_420, %select_n3A_406 : vector<16xi1>, vector<16xf32>
        %select_n3A_436 = arith.select %gt3A_423, %select_n3A_402, %select_n3A_435 : vector<16xi1>, vector<16xf32>
        %select_n3A_437 = arith.select %gt3A_424, %add3A_410, %select_n3A_408 : vector<16xi1>, vector<16xi32>
        %select_n3A_438 = arith.select %gt3A_423, %select_n3A_404, %select_n3A_437 : vector<16xi1>, vector<16xi32>
        %convert_element_type3A_439 = arith.extui %lt3A_412 : vector<16xi1> to vector<16xi32>
        %add3A_440 = arith.addi %add3A_410, %convert_element_type3A_439 : vector<16xi32>
        %add3A_441 = arith.addi %add3A_411, %convert_element_type3A_439 : vector<16xi32>
        %lt3A_442 = arith.cmpi slt, %add3A_440, %select_n3A_104 : vector<16xi32>
        %shift_right_arithmetic3A_443 = arith.constant 11 : i32
        %shift_right_arithmetic3A_444 = vector.broadcast %shift_right_arithmetic3A_443 : i32 to vector<16xi32>
        %shift_right_arithmetic3A_445 = arith.shrsi %add3A_441, %shift_right_arithmetic3A_444 : vector<16xi32>
        %and3A_446 = arith.constant 2047 : i32
        %and3A_447 = vector.broadcast %and3A_446 : i32 to vector<16xi32>
        %and3A_448 = arith.andi %add3A_441, %and3A_447 : vector<16xi32>
        %gather3A_449 = tpu.vector_load_idx %arg7[%shift_right_arithmetic3A_445, %and3A_448] masked %lt3A_442 : memref<32x2048xf32, #tpu.memory_space<vmem>>[vector<16xi32>, vector<16xi32>], vector<16xf32>, vector<16xi1>
        %select_n3A_450 = arith.select %lt3A_442, %gather3A_449, %broadcast_in_dim3A_7 : vector<16xi1>, vector<16xf32>
        %gt3A_451 = arith.cmpf ogt, %select_n3A_450, %select_n3A_425 : vector<16xf32>
        %gt3A_452 = arith.cmpf ogt, %select_n3A_450, %select_n3A_428 : vector<16xf32>
        %gt3A_453 = arith.cmpf ogt, %select_n3A_450, %select_n3A_432 : vector<16xf32>
        %gt3A_454 = arith.cmpf ogt, %select_n3A_450, %select_n3A_436 : vector<16xf32>
        %select_n3A_455 = arith.select %gt3A_451, %select_n3A_450, %select_n3A_425 : vector<16xi1>, vector<16xf32>
        %select_n3A_456 = arith.select %gt3A_451, %add3A_440, %select_n3A_426 : vector<16xi1>, vector<16xi32>
        %select_n3A_457 = arith.select %gt3A_452, %select_n3A_450, %select_n3A_428 : vector<16xi1>, vector<16xf32>
        %select_n3A_458 = arith.select %gt3A_451, %select_n3A_425, %select_n3A_457 : vector<16xi1>, vector<16xf32>
        %select_n3A_459 = arith.select %gt3A_452, %add3A_440, %select_n3A_430 : vector<16xi1>, vector<16xi32>
        %select_n3A_460 = arith.select %gt3A_451, %select_n3A_426, %select_n3A_459 : vector<16xi1>, vector<16xi32>
        %select_n3A_461 = arith.select %gt3A_453, %select_n3A_450, %select_n3A_432 : vector<16xi1>, vector<16xf32>
        %select_n3A_462 = arith.select %gt3A_452, %select_n3A_428, %select_n3A_461 : vector<16xi1>, vector<16xf32>
        %select_n3A_463 = arith.select %gt3A_453, %add3A_440, %select_n3A_434 : vector<16xi1>, vector<16xi32>
        %select_n3A_464 = arith.select %gt3A_452, %select_n3A_430, %select_n3A_463 : vector<16xi1>, vector<16xi32>
        %select_n3A_465 = arith.select %gt3A_454, %select_n3A_450, %select_n3A_436 : vector<16xi1>, vector<16xf32>
        %select_n3A_466 = arith.select %gt3A_453, %select_n3A_432, %select_n3A_465 : vector<16xi1>, vector<16xf32>
        %select_n3A_467 = arith.select %gt3A_454, %add3A_440, %select_n3A_438 : vector<16xi1>, vector<16xi32>
        %select_n3A_468 = arith.select %gt3A_453, %select_n3A_434, %select_n3A_467 : vector<16xi1>, vector<16xi32>
        %convert_element_type3A_469 = arith.extui %lt3A_442 : vector<16xi1> to vector<16xi32>
        %add3A_470 = arith.addi %add3A_440, %convert_element_type3A_469 : vector<16xi32>
        %add3A_471 = arith.addi %add3A_441, %convert_element_type3A_469 : vector<16xi32>
        %lt3A_472 = arith.cmpi slt, %add3A_470, %select_n3A_104 : vector<16xi32>
        %shift_right_arithmetic3A_473 = arith.constant 11 : i32
        %shift_right_arithmetic3A_474 = vector.broadcast %shift_right_arithmetic3A_473 : i32 to vector<16xi32>
        %shift_right_arithmetic3A_475 = arith.shrsi %add3A_471, %shift_right_arithmetic3A_474 : vector<16xi32>
        %and3A_476 = arith.constant 2047 : i32
        %and3A_477 = vector.broadcast %and3A_476 : i32 to vector<16xi32>
        %and3A_478 = arith.andi %add3A_471, %and3A_477 : vector<16xi32>
        %gather3A_479 = tpu.vector_load_idx %arg7[%shift_right_arithmetic3A_475, %and3A_478] masked %lt3A_472 : memref<32x2048xf32, #tpu.memory_space<vmem>>[vector<16xi32>, vector<16xi32>], vector<16xf32>, vector<16xi1>
        %select_n3A_480 = arith.select %lt3A_472, %gather3A_479, %broadcast_in_dim3A_7 : vector<16xi1>, vector<16xf32>
        %gt3A_481 = arith.cmpf ogt, %select_n3A_480, %select_n3A_455 : vector<16xf32>
        %gt3A_482 = arith.cmpf ogt, %select_n3A_480, %select_n3A_458 : vector<16xf32>
        %gt3A_483 = arith.cmpf ogt, %select_n3A_480, %select_n3A_462 : vector<16xf32>
        %gt3A_484 = arith.cmpf ogt, %select_n3A_480, %select_n3A_466 : vector<16xf32>
        %select_n3A_485 = arith.select %gt3A_481, %select_n3A_480, %select_n3A_455 : vector<16xi1>, vector<16xf32>
        %select_n3A_486 = arith.select %gt3A_481, %add3A_470, %select_n3A_456 : vector<16xi1>, vector<16xi32>
        %select_n3A_487 = arith.select %gt3A_482, %select_n3A_480, %select_n3A_458 : vector<16xi1>, vector<16xf32>
        %select_n3A_488 = arith.select %gt3A_481, %select_n3A_455, %select_n3A_487 : vector<16xi1>, vector<16xf32>
        %select_n3A_489 = arith.select %gt3A_482, %add3A_470, %select_n3A_460 : vector<16xi1>, vector<16xi32>
        %select_n3A_490 = arith.select %gt3A_481, %select_n3A_456, %select_n3A_489 : vector<16xi1>, vector<16xi32>
        %select_n3A_491 = arith.select %gt3A_483, %select_n3A_480, %select_n3A_462 : vector<16xi1>, vector<16xf32>
        %select_n3A_492 = arith.select %gt3A_482, %select_n3A_458, %select_n3A_491 : vector<16xi1>, vector<16xf32>
        %select_n3A_493 = arith.select %gt3A_483, %add3A_470, %select_n3A_464 : vector<16xi1>, vector<16xi32>
        %select_n3A_494 = arith.select %gt3A_482, %select_n3A_460, %select_n3A_493 : vector<16xi1>, vector<16xi32>
        %select_n3A_495 = arith.select %gt3A_484, %select_n3A_480, %select_n3A_466 : vector<16xi1>, vector<16xf32>
        %select_n3A_496 = arith.select %gt3A_483, %select_n3A_462, %select_n3A_495 : vector<16xi1>, vector<16xf32>
        %select_n3A_497 = arith.select %gt3A_484, %add3A_470, %select_n3A_468 : vector<16xi1>, vector<16xi32>
        %select_n3A_498 = arith.select %gt3A_483, %select_n3A_464, %select_n3A_497 : vector<16xi1>, vector<16xi32>
        %convert_element_type3A_499 = arith.extui %lt3A_472 : vector<16xi1> to vector<16xi32>
        %add3A_500 = arith.addi %add3A_470, %convert_element_type3A_499 : vector<16xi32>
        %add3A_501 = arith.addi %add3A_471, %convert_element_type3A_499 : vector<16xi32>
        %lt3A_502 = arith.cmpi slt, %add3A_500, %select_n3A_104 : vector<16xi32>
        %shift_right_arithmetic3A_503 = arith.constant 11 : i32
        %shift_right_arithmetic3A_504 = vector.broadcast %shift_right_arithmetic3A_503 : i32 to vector<16xi32>
        %shift_right_arithmetic3A_505 = arith.shrsi %add3A_501, %shift_right_arithmetic3A_504 : vector<16xi32>
        %and3A_506 = arith.constant 2047 : i32
        %and3A_507 = vector.broadcast %and3A_506 : i32 to vector<16xi32>
        %and3A_508 = arith.andi %add3A_501, %and3A_507 : vector<16xi32>
        %gather3A_509 = tpu.vector_load_idx %arg7[%shift_right_arithmetic3A_505, %and3A_508] masked %lt3A_502 : memref<32x2048xf32, #tpu.memory_space<vmem>>[vector<16xi32>, vector<16xi32>], vector<16xf32>, vector<16xi1>
        %select_n3A_510 = arith.select %lt3A_502, %gather3A_509, %broadcast_in_dim3A_7 : vector<16xi1>, vector<16xf32>
        %gt3A_511 = arith.cmpf ogt, %select_n3A_510, %select_n3A_485 : vector<16xf32>
        %gt3A_512 = arith.cmpf ogt, %select_n3A_510, %select_n3A_488 : vector<16xf32>
        %gt3A_513 = arith.cmpf ogt, %select_n3A_510, %select_n3A_492 : vector<16xf32>
        %gt3A_514 = arith.cmpf ogt, %select_n3A_510, %select_n3A_496 : vector<16xf32>
        %select_n3A_515 = arith.select %gt3A_511, %select_n3A_510, %select_n3A_485 : vector<16xi1>, vector<16xf32>
        %select_n3A_516 = arith.select %gt3A_511, %add3A_500, %select_n3A_486 : vector<16xi1>, vector<16xi32>
        %select_n3A_517 = arith.select %gt3A_512, %select_n3A_510, %select_n3A_488 : vector<16xi1>, vector<16xf32>
        %select_n3A_518 = arith.select %gt3A_511, %select_n3A_485, %select_n3A_517 : vector<16xi1>, vector<16xf32>
        %select_n3A_519 = arith.select %gt3A_512, %add3A_500, %select_n3A_490 : vector<16xi1>, vector<16xi32>
        %select_n3A_520 = arith.select %gt3A_511, %select_n3A_486, %select_n3A_519 : vector<16xi1>, vector<16xi32>
        %select_n3A_521 = arith.select %gt3A_513, %select_n3A_510, %select_n3A_492 : vector<16xi1>, vector<16xf32>
        %select_n3A_522 = arith.select %gt3A_512, %select_n3A_488, %select_n3A_521 : vector<16xi1>, vector<16xf32>
        %select_n3A_523 = arith.select %gt3A_513, %add3A_500, %select_n3A_494 : vector<16xi1>, vector<16xi32>
        %select_n3A_524 = arith.select %gt3A_512, %select_n3A_490, %select_n3A_523 : vector<16xi1>, vector<16xi32>
        %select_n3A_525 = arith.select %gt3A_514, %select_n3A_510, %select_n3A_496 : vector<16xi1>, vector<16xf32>
        %select_n3A_526 = arith.select %gt3A_513, %select_n3A_492, %select_n3A_525 : vector<16xi1>, vector<16xf32>
        %select_n3A_527 = arith.select %gt3A_514, %add3A_500, %select_n3A_498 : vector<16xi1>, vector<16xi32>
        %select_n3A_528 = arith.select %gt3A_513, %select_n3A_494, %select_n3A_527 : vector<16xi1>, vector<16xi32>
        %convert_element_type3A_529 = arith.extui %lt3A_502 : vector<16xi1> to vector<16xi32>
        %add3A_530 = arith.addi %add3A_500, %convert_element_type3A_529 : vector<16xi32>
        %add3A_531 = arith.addi %add3A_501, %convert_element_type3A_529 : vector<16xi32>
        %lt3A_532 = arith.cmpi slt, %add3A_530, %select_n3A_104 : vector<16xi32>
        %shift_right_arithmetic3A_533 = arith.constant 11 : i32
        %shift_right_arithmetic3A_534 = vector.broadcast %shift_right_arithmetic3A_533 : i32 to vector<16xi32>
        %shift_right_arithmetic3A_535 = arith.shrsi %add3A_531, %shift_right_arithmetic3A_534 : vector<16xi32>
        %and3A_536 = arith.constant 2047 : i32
        %and3A_537 = vector.broadcast %and3A_536 : i32 to vector<16xi32>
        %and3A_538 = arith.andi %add3A_531, %and3A_537 : vector<16xi32>
        %gather3A_539 = tpu.vector_load_idx %arg7[%shift_right_arithmetic3A_535, %and3A_538] masked %lt3A_532 : memref<32x2048xf32, #tpu.memory_space<vmem>>[vector<16xi32>, vector<16xi32>], vector<16xf32>, vector<16xi1>
        %select_n3A_540 = arith.select %lt3A_532, %gather3A_539, %broadcast_in_dim3A_7 : vector<16xi1>, vector<16xf32>
        %gt3A_541 = arith.cmpf ogt, %select_n3A_540, %select_n3A_515 : vector<16xf32>
        %gt3A_542 = arith.cmpf ogt, %select_n3A_540, %select_n3A_518 : vector<16xf32>
        %gt3A_543 = arith.cmpf ogt, %select_n3A_540, %select_n3A_522 : vector<16xf32>
        %gt3A_544 = arith.cmpf ogt, %select_n3A_540, %select_n3A_526 : vector<16xf32>
        %select_n3A_545 = arith.select %gt3A_541, %select_n3A_540, %select_n3A_515 : vector<16xi1>, vector<16xf32>
        %select_n3A_546 = arith.select %gt3A_541, %add3A_530, %select_n3A_516 : vector<16xi1>, vector<16xi32>
        %select_n3A_547 = arith.select %gt3A_542, %select_n3A_540, %select_n3A_518 : vector<16xi1>, vector<16xf32>
        %select_n3A_548 = arith.select %gt3A_541, %select_n3A_515, %select_n3A_547 : vector<16xi1>, vector<16xf32>
        %select_n3A_549 = arith.select %gt3A_542, %add3A_530, %select_n3A_520 : vector<16xi1>, vector<16xi32>
        %select_n3A_550 = arith.select %gt3A_541, %select_n3A_516, %select_n3A_549 : vector<16xi1>, vector<16xi32>
        %select_n3A_551 = arith.select %gt3A_543, %select_n3A_540, %select_n3A_522 : vector<16xi1>, vector<16xf32>
        %select_n3A_552 = arith.select %gt3A_542, %select_n3A_518, %select_n3A_551 : vector<16xi1>, vector<16xf32>
        %select_n3A_553 = arith.select %gt3A_543, %add3A_530, %select_n3A_524 : vector<16xi1>, vector<16xi32>
        %select_n3A_554 = arith.select %gt3A_542, %select_n3A_520, %select_n3A_553 : vector<16xi1>, vector<16xi32>
        %select_n3A_555 = arith.select %gt3A_544, %select_n3A_540, %select_n3A_526 : vector<16xi1>, vector<16xf32>
        %select_n3A_556 = arith.select %gt3A_543, %select_n3A_522, %select_n3A_555 : vector<16xi1>, vector<16xf32>
        %select_n3A_557 = arith.select %gt3A_544, %add3A_530, %select_n3A_528 : vector<16xi1>, vector<16xi32>
        %select_n3A_558 = arith.select %gt3A_543, %select_n3A_524, %select_n3A_557 : vector<16xi1>, vector<16xi32>
        %convert_element_type3A_559 = arith.extui %lt3A_532 : vector<16xi1> to vector<16xi32>
        %add3A_560 = arith.addi %add3A_530, %convert_element_type3A_559 : vector<16xi32>
        %add3A_561 = arith.addi %add3A_531, %convert_element_type3A_559 : vector<16xi32>
        %lt3A_562 = arith.cmpi slt, %add3A_560, %select_n3A_104 : vector<16xi32>
        %shift_right_arithmetic3A_563 = arith.constant 11 : i32
        %shift_right_arithmetic3A_564 = vector.broadcast %shift_right_arithmetic3A_563 : i32 to vector<16xi32>
        %shift_right_arithmetic3A_565 = arith.shrsi %add3A_561, %shift_right_arithmetic3A_564 : vector<16xi32>
        %and3A_566 = arith.constant 2047 : i32
        %and3A_567 = vector.broadcast %and3A_566 : i32 to vector<16xi32>
        %and3A_568 = arith.andi %add3A_561, %and3A_567 : vector<16xi32>
        %gather3A_569 = tpu.vector_load_idx %arg7[%shift_right_arithmetic3A_565, %and3A_568] masked %lt3A_562 : memref<32x2048xf32, #tpu.memory_space<vmem>>[vector<16xi32>, vector<16xi32>], vector<16xf32>, vector<16xi1>
        %select_n3A_570 = arith.select %lt3A_562, %gather3A_569, %broadcast_in_dim3A_7 : vector<16xi1>, vector<16xf32>
        %gt3A_571 = arith.cmpf ogt, %select_n3A_570, %select_n3A_545 : vector<16xf32>
        %gt3A_572 = arith.cmpf ogt, %select_n3A_570, %select_n3A_548 : vector<16xf32>
        %gt3A_573 = arith.cmpf ogt, %select_n3A_570, %select_n3A_552 : vector<16xf32>
        %gt3A_574 = arith.cmpf ogt, %select_n3A_570, %select_n3A_556 : vector<16xf32>
        %select_n3A_575 = arith.select %gt3A_571, %select_n3A_570, %select_n3A_545 : vector<16xi1>, vector<16xf32>
        %select_n3A_576 = arith.select %gt3A_571, %add3A_560, %select_n3A_546 : vector<16xi1>, vector<16xi32>
        %select_n3A_577 = arith.select %gt3A_572, %select_n3A_570, %select_n3A_548 : vector<16xi1>, vector<16xf32>
        %select_n3A_578 = arith.select %gt3A_571, %select_n3A_545, %select_n3A_577 : vector<16xi1>, vector<16xf32>
        %select_n3A_579 = arith.select %gt3A_572, %add3A_560, %select_n3A_550 : vector<16xi1>, vector<16xi32>
        %select_n3A_580 = arith.select %gt3A_571, %select_n3A_546, %select_n3A_579 : vector<16xi1>, vector<16xi32>
        %select_n3A_581 = arith.select %gt3A_573, %select_n3A_570, %select_n3A_552 : vector<16xi1>, vector<16xf32>
        %select_n3A_582 = arith.select %gt3A_572, %select_n3A_548, %select_n3A_581 : vector<16xi1>, vector<16xf32>
        %select_n3A_583 = arith.select %gt3A_573, %add3A_560, %select_n3A_554 : vector<16xi1>, vector<16xi32>
        %select_n3A_584 = arith.select %gt3A_572, %select_n3A_550, %select_n3A_583 : vector<16xi1>, vector<16xi32>
        %select_n3A_585 = arith.select %gt3A_574, %select_n3A_570, %select_n3A_556 : vector<16xi1>, vector<16xf32>
        %select_n3A_586 = arith.select %gt3A_573, %select_n3A_552, %select_n3A_585 : vector<16xi1>, vector<16xf32>
        %select_n3A_587 = arith.select %gt3A_574, %add3A_560, %select_n3A_558 : vector<16xi1>, vector<16xi32>
        %select_n3A_588 = arith.select %gt3A_573, %select_n3A_554, %select_n3A_587 : vector<16xi1>, vector<16xi32>
        %convert_element_type3A_589 = arith.extui %lt3A_562 : vector<16xi1> to vector<16xi32>
        %add3A_590 = arith.addi %add3A_560, %convert_element_type3A_589 : vector<16xi32>
        %add3A_591 = arith.addi %add3A_561, %convert_element_type3A_589 : vector<16xi32>
        scf.yield %add3A_96, %add3A_590, %add3A_591, %select_n3A_104, %select_n3A_575, %select_n3A_578, %select_n3A_582, %select_n3A_586, %select_n3A_576, %select_n3A_580, %select_n3A_584, %select_n3A_588 : vector<16xi32>, vector<16xi32>, vector<16xi32>, vector<16xi32>, vector<16xf32>, vector<16xf32>, vector<16xf32>, vector<16xf32>, vector<16xi32>, vector<16xi32>, vector<16xi32>, vector<16xi32>
      }
      %scan3A_60 = arith.constant 128 : i32
      scf.yield %scan3A_59#0, %scan3A_59#1, %scan3A_59#3, %scan3A_59#4, %scan3A_59#5, %scan3A_59#6, %scan3A_59#7, %scan3A_59#8, %scan3A_59#9, %scan3A_59#10, %scan3A_59#11 : vector<16xi32>, vector<16xi32>, vector<16xi32>, vector<16xf32>, vector<16xf32>, vector<16xf32>, vector<16xf32>, vector<16xi32>, vector<16xi32>, vector<16xi32>, vector<16xi32>
    }
    "tpu.region"() ({
      %run_scoped3A = tpu.sem_alloc : memref<!tpu.dma_semaphore, #tpu.memory_space<semaphore_mem>>
      %dma_start3A = arith.constant 0 : i32
      %dma_start3A_24 = tpu.memref_slice %arg4[%add3A, %dma_start3A] : memref<32x12544xf32, #tpu.memory_space<hbm>> -> memref<1x12544xf32, #tpu.memory_space<hbm>>
      %dma_start3A_25 = tpu.memref_squeeze %dma_start3A_24 : memref<1x12544xf32, #tpu.memory_space<hbm>> -> memref<12544xf32, #tpu.memory_space<hbm>>
      %dma_start3A_26 = arith.constant 0 : i32
      %dma_start3A_27 = tpu.memref_slice %arg4[%add3A, %dma_start3A_26] : memref<32x12544xf32, #tpu.memory_space<hbm>> -> memref<1x12544xf32, #tpu.memory_space<hbm>>
      %dma_start3A_28 = tpu.memref_squeeze %dma_start3A_27 : memref<1x12544xf32, #tpu.memory_space<hbm>> -> memref<12544xf32, #tpu.memory_space<hbm>>
      tpu.enqueue_dma source(%arg9 : memref<12544xf32, #tpu.memory_space<vmem>>) target(%dma_start3A_28 : memref<12544xf32, #tpu.memory_space<hbm>>) target_semaphore(%run_scoped3A : memref<!tpu.dma_semaphore, #tpu.memory_space<semaphore_mem>>)
      %dma_wait3A = arith.constant 0 : i32
      %dma_wait3A_29 = tpu.memref_slice %arg4[%add3A, %dma_wait3A] : memref<32x12544xf32, #tpu.memory_space<hbm>> -> memref<1x12544xf32, #tpu.memory_space<hbm>>
      %dma_wait3A_30 = tpu.memref_squeeze %dma_wait3A_29 : memref<1x12544xf32, #tpu.memory_space<hbm>> -> memref<12544xf32, #tpu.memory_space<hbm>>
      %dma_wait3A_31 = arith.constant 0 : i32
      %dma_wait3A_32 = tpu.memref_slice %arg4[%add3A, %dma_wait3A_31] : memref<32x12544xf32, #tpu.memory_space<hbm>> -> memref<1x12544xf32, #tpu.memory_space<hbm>>
      %dma_wait3A_33 = tpu.memref_squeeze %dma_wait3A_32 : memref<1x12544xf32, #tpu.memory_space<hbm>> -> memref<12544xf32, #tpu.memory_space<hbm>>
      tpu.wait_dma2 semaphore(%run_scoped3A : memref<!tpu.dma_semaphore, #tpu.memory_space<semaphore_mem>>) src(%arg9 : memref<12544xf32, #tpu.memory_space<vmem>>) dst(%dma_wait3A_33 : memref<12544xf32, #tpu.memory_space<hbm>>)
      tpu.yield
    }) : () -> ()
    "tpu.region"() ({
      %run_scoped3A = tpu.sem_alloc : memref<!tpu.dma_semaphore, #tpu.memory_space<semaphore_mem>>
      %dma_start3A = arith.constant 0 : i32
      %dma_start3A_24 = tpu.memref_slice %arg5[%add3A, %dma_start3A] : memref<32x12544xi32, #tpu.memory_space<hbm>> -> memref<1x12544xi32, #tpu.memory_space<hbm>>
      %dma_start3A_25 = tpu.memref_squeeze %dma_start3A_24 : memref<1x12544xi32, #tpu.memory_space<hbm>> -> memref<12544xi32, #tpu.memory_space<hbm>>
      %dma_start3A_26 = arith.constant 0 : i32
      %dma_start3A_27 = tpu.memref_slice %arg5[%add3A, %dma_start3A_26] : memref<32x12544xi32, #tpu.memory_space<hbm>> -> memref<1x12544xi32, #tpu.memory_space<hbm>>
      %dma_start3A_28 = tpu.memref_squeeze %dma_start3A_27 : memref<1x12544xi32, #tpu.memory_space<hbm>> -> memref<12544xi32, #tpu.memory_space<hbm>>
      tpu.enqueue_dma source(%arg10 : memref<12544xi32, #tpu.memory_space<vmem>>) target(%dma_start3A_28 : memref<12544xi32, #tpu.memory_space<hbm>>) target_semaphore(%run_scoped3A : memref<!tpu.dma_semaphore, #tpu.memory_space<semaphore_mem>>)
      %dma_wait3A = arith.constant 0 : i32
      %dma_wait3A_29 = tpu.memref_slice %arg5[%add3A, %dma_wait3A] : memref<32x12544xi32, #tpu.memory_space<hbm>> -> memref<1x12544xi32, #tpu.memory_space<hbm>>
      %dma_wait3A_30 = tpu.memref_squeeze %dma_wait3A_29 : memref<1x12544xi32, #tpu.memory_space<hbm>> -> memref<12544xi32, #tpu.memory_space<hbm>>
      %dma_wait3A_31 = arith.constant 0 : i32
      %dma_wait3A_32 = tpu.memref_slice %arg5[%add3A, %dma_wait3A_31] : memref<32x12544xi32, #tpu.memory_space<hbm>> -> memref<1x12544xi32, #tpu.memory_space<hbm>>
      %dma_wait3A_33 = tpu.memref_squeeze %dma_wait3A_32 : memref<1x12544xi32, #tpu.memory_space<hbm>> -> memref<12544xi32, #tpu.memory_space<hbm>>
      tpu.wait_dma2 semaphore(%run_scoped3A : memref<!tpu.dma_semaphore, #tpu.memory_space<semaphore_mem>>) src(%arg10 : memref<12544xi32, #tpu.memory_space<vmem>>) dst(%dma_wait3A_33 : memref<12544xi32, #tpu.memory_space<hbm>>)
      tpu.yield
    }) : () -> ()
    return
  }
}

</mosaic_0001>

<sc_bundles>
// kernel: kernel.3.cloned.1.call-start
scs
__scs_entry_jumppad:
0x0: {  	(pc) =	sbr.rel $0x88, $3  }
0x1: {  	(tag) =	ssettag $0x0;
	lr =	simm.s32 $0x1  }
0x2: {  	[smem:$0x3F9F] =	sst lr;
	_ =	strace $0xD0000000  }
0x3: {  	_ = 	snop  }
0x4: {  	_ = 	snop  }
0x5: {  	_ = 	snop  }
0x6: {  	_ = 	snop  }
0x7: {  	_ = 	snop  }
__scs_overlays_trampoline_lowered:
0x8: {  	[smem:$0x3FAE] =	sst s0  }
0x9: {  	[smem:$0x3FAF] =	sst s1  }
0xa: {  	[smem:$0x3FB0] =	sst s2  }
0xb: {  	[smem:$0x3FB1] =	sst s3  }
0xc: {  	[smem:$0x3FB2] =	sst s4  }
0xd: {  	[smem:$0x3FB3] =	sst s5  }
0xe: {  	[smem:$0x3FB4] =	sst s6  }
0xf: {  	[smem:$0x3FB5] =	sst s7  }
0x10: {  	[smem:$0x3FB6] =	sst s8  }
0x11: {  	[smem:$0x3FB7] =	sst s9;
	s0 =	simm.s32 @!p0 $0x0  }
0x12: {  	s1 =	sld [smem:$0x3F9D];
	s0 =	simm.s32 @p0 $0x1  }
0x13: {  	[smem:$0x3FB8] =	sst s0;
	s0 =	simm.s32 @!p1 $0x0  }
0x14: {  	s2 =	sld [smem:$0x3F9C];
	s0 =	simm.s32 @p1 $0x1  }
0x15: {  	[smem:$0x3FB9] =	sst s0;
	s0 =	simm.s32 @!p2 $0x0  }
0x16: {  	s3 =	sld [smem:$0x3FDB];
	s0 =	simm.s32 @p2 $0x1  }
0x17: {  	s4 =	simm.s32 $0x1BF5;
	[smem:$0x3FBB] =	sst s0  }
0x18: {  	s0 =	sld [smem:$0x3F9E];
	_ =	swait.ge [sflag:s4], $0x0  }
0x19: {  	s7 =	sld [smem:$0x3F9F]  }
0x1a: {  	s8 =	sadd.s32 $0xFFFFE003, lr  }
0x1b: {  	s9 =	sadd.s32 $0xFFFFFEF7, lr;
	s5 =	simm.s32 $0xFFFFFFFF;
	p2 =	slt.u32 s8, $0xFFFFF086  }
0x1c: {  	p1 =	slt.u32 s9, $0xF7A;
	s5 =	simm.s32 @!p2 $0x0  }
0x1d: {  	s5 =	simm.s32 @p1 $0x1;
	p0 =	seq.s32 s7, s2  }
0x1e: {  	s7 =	smul.u32 @!p0 $0xF7A, s2;
	p2 =	seq.s32 @!p0 s5, $0x0  }
0x1f: {  	s9 =	smul.u32 $0xF7A, s1;
	s8 =	simm.s32 @!p0 $0x1BF5;
	p2 =	por !p2, p0  }
0x20: {  	[sflag:s8] =	ssyncset.s32 @!p0 $0xFFFFF086;
	s6 =	sadd.s32 @!p0 s3, s7;
	s7 =	simm.s32 @!p0 $0x108  }
0x21: {  	s3 =	sadd.s32 s3, s9;
	s6 =	sadd.s32 @!p0 $0x88, s6;
	s7 =	simm.s32 @p2 $0x1082  }
0x22: {  	[simem:s7], [sflag:s8] =	dma.local @!p0 [hbm:s6], $0xF7A  }
0x23: {  	s9 =	sor.u32 $0xD0000000, s2;
	s6 =	simm.s32 $0x108;
	_ =	swait.ge @!p0 [sflag:s8], $0x0  }
0x24: {  	s3 =	sadd.s32 $0x88, s3;
	s6 =	simm.s32 @!p1 $0x1082;
	[sflag:s4] =	ssyncset.s32 $0xFFFFF086  }
0x25: {  	[simem:s6], [sflag:s4] =	dma.local [hbm:s3], $0xF7A  }
0x26: {  	[smem:$0x3F9F] =	sst s1;
	(tag) =	ssettag s2;
	_ =	strace s9  }
0x27: {  	s1 =	sld [smem:$0x3FAF]  }
0x28: {  	s2 =	sld [smem:$0x3FB0]  }
0x29: {  	s4 =	sld [smem:$0x3FB2]  }
0x2a: {  	p0 =	seq.s32 s5, $0x0;
	s5 =	sld [smem:$0x3FB3]  }
0x2b: {  	s6 =	sld [smem:$0x3FB4]  }
0x2c: {  	s7 =	sld [smem:$0x3FB5]  }
0x2d: {  	s3 =	simm.s32 $0x108;
	s8 =	sld [smem:$0x3FB6]  }
0x2e: {  	s3 =	simm.s32 @!p0 $0x1082;
	s9 =	sld [smem:$0x3FB7]  }
0x2f: {  	lr =	sadd.s32 s0, s3;
	s0 =	sld [smem:$0x3FAE]  }
0x30: {  	s3 =	sld [smem:$0x3FB1]  }
0x31: {  	[smem:$0x3FBA] =	sst s10  }
0x32: {  	s10 =	sld [smem:$0x3FB8];
	_ =	sdelay $0x3  }
0x33: {  	p0 =	seq.s32 s10, $0x1;
	s10 =	sld [smem:$0x3FBA];
	_ =	sdelay $0x3  }
0x34: {  	[smem:$0x3FBA] =	sst s10  }
0x35: {  	s10 =	sld [smem:$0x3FB9];
	_ =	sdelay $0x3  }
0x36: {  	p1 =	seq.s32 s10, $0x1;
	s10 =	sld [smem:$0x3FBA];
	_ =	sdelay $0x3  }
0x37: {  	[smem:$0x3FBA] =	sst s10  }
0x38: {  	s10 =	sld [smem:$0x3FBB]  }
0x39: {  	_ = 	snop;
	(pc) =	sbr.ind lr, $3  }
0x3a: {  	_ = 	snop  }
0x3b: {  	_ = 	snop  }
0x3c: {  	p2 =	seq.s32 s10, $0x1;
	s10 =	sld [smem:$0x3FBA]  }
0x3d: {  	_ =	shalt  }
0x3e: {  	_ =	shalt  }
0x3f: {  	_ =	shalt  }
0x40: {  	_ =	shalt  }
0x41: {  	_ =	shalt  }
0x42: {  	_ =	shalt  }
0x43: {  	_ =	shalt  }
0x44: {  	_ =	shalt  }
0x45: {  	_ =	shalt  }
0x46: {  	_ =	shalt  }
0x47: {  	_ =	shalt  }
0x48: {  	_ =	shalt  }
0x49: {  	_ =	shalt  }
0x4a: {  	_ =	shalt  }
0x4b: {  	_ =	shalt  }
0x4c: {  	_ =	shalt  }
0x4d: {  	_ =	shalt  }
0x4e: {  	_ =	shalt  }
0x4f: {  	_ =	shalt  }
0x50: {  	_ =	shalt  }
0x51: {  	_ =	shalt  }
0x52: {  	_ =	shalt  }
0x53: {  	_ =	shalt  }
0x54: {  	_ =	shalt  }
0x55: {  	_ =	shalt  }
0x56: {  	_ =	shalt  }
0x57: {  	_ =	shalt  }
0x58: {  	_ =	shalt  }
0x59: {  	_ =	shalt  }
0x5a: {  	_ =	shalt  }
0x5b: {  	_ =	shalt  }
0x5c: {  	_ =	shalt  }
0x5d: {  	_ =	shalt  }
0x5e: {  	_ =	shalt  }
0x5f: {  	_ =	shalt  }
0x60: {  	_ =	shalt  }
0x61: {  	_ =	shalt  }
0x62: {  	_ =	shalt  }
0x63: {  	_ =	shalt  }
0x64: {  	_ =	shalt  }
0x65: {  	_ =	shalt  }
0x66: {  	_ =	shalt  }
0x67: {  	_ =	shalt  }
0x68: {  	_ =	shalt  }
0x69: {  	_ =	shalt  }
0x6a: {  	_ =	shalt  }
0x6b: {  	_ =	shalt  }
0x6c: {  	_ =	shalt  }
0x6d: {  	_ =	shalt  }
0x6e: {  	_ =	shalt  }
0x6f: {  	_ =	shalt  }
0x70: {  	_ =	shalt  }
0x71: {  	_ =	shalt  }
0x72: {  	_ =	shalt  }
0x73: {  	_ =	shalt  }
0x74: {  	_ =	shalt  }
0x75: {  	_ =	shalt  }
0x76: {  	_ =	shalt  }
0x77: {  	_ =	shalt  }
0x78: {  	_ =	shalt  }
0x79: {  	_ =	shalt  }
0x7a: {  	_ =	shalt  }
0x7b: {  	_ =	shalt  }
0x7c: {  	_ =	shalt  }
0x7d: {  	_ =	shalt  }
0x7e: {  	_ =	shalt  }
0x7f: {  	_ =	shalt  }
0x80: {  	_ =	shalt  }
0x81: {  	_ =	shalt  }
0x82: {  	_ =	shalt  }
0x83: {  	_ =	shalt  }
0x84: {  	_ =	shalt  }
0x85: {  	_ =	shalt  }
0x86: {  	_ =	shalt  }
0x87: {  	_ =	shalt  }
.Lfunc_end0:
.L_simem_size_0:
called_computation_lowered:
.L_overlay_start_0:
0x88: {  	s2 =	sld [smem:$0x3FD9]  }
0x89: {  	s3 =	sld [smem:$0x3FFE];
	_ =	sdelay $0x1  }
0x8a: {  	s1 =	srdreg.scid  }
0x8b: {  	s0 =	sand.u32 $0x1, s1  }
0x8c: {  	s14 =	sshll.u32 s0, $0xA;
	s2 =	sadd.s32 s3, s2  }
0x8d: {  	s2 =	sadd.s32 s2, s14  }
0x8e: {  	[smem:$0x3FC6] =	sst s2  }
0x8f: {  	_ = 	snop  }
0x90: {  	s2 =	sld [smem:$0x3FD0];
	_ =	sdelay $0x2  }
0x91: {  	s4 =	simm.s32 $0xA;
	s5 =	simm.s32 $0x10;
	s15 =	sld [smem:$0x3FC8]  }
0x92: {  	[smem:s5], [sflag:s4] =	dma.local [hbm:s2], $0x1  }
0x93: {  	_ =	swait.eq [sflag:s4], $0x1  }
0x94: {  	[sflag:s4] =	ssyncset.done $0x0  }
0x95: {  	[sflag:s4] =	ssyncadd.s32 $0xFFFFFFFF  }
0x96: {  	s16 =	sld [smem:$0x11];
	(tm) =	ssettm $0x1  }
0x97: {  	s17 =	sld [smem:$0x3FFB];
	_ =	sdelay $0x3  }
0x98: {  	_ =	strace s17  }
0x99: {  	s4 =	sld [smem:$0x3FFC];
	_ =	sdelay $0x3  }
0x9a: {  	_ =	strace s4  }
0x9b: {  	s4 =	sld [smem:$0x3FFD];
	_ =	sdelay $0x3  }
0x9c: {  	_ =	strace s4  }
0x9d: {  	_ =	strace $0x8FFFFFFF  }
0x9e: {  	s18 =	sld [smem:$0x3FDB];
	_ =	sdelay $0x1  }
0x9f: {  	s19 =	simm.s32 $_scs_section_size  }
0xa0: {  	s6 =	simm.s32 $_size__tile_overlayer_lowered;
	s7 =	simm.s32 $_tile_overlayer_lowered  }
0xa1: {  	s22 =	simm.s32 $0x1BFF;
	s21 =	sshll.u32 s7, $0x1;
	s4 =	sadd.s32 s19, s18  }
0xa2: {  	s8 =	simm.s32 $0x0;
	s20 =	sshll.u32 s6, $0x1;
	s6 =	sadd.s32 s21, s4  }
0xa3: {  	[timem:s8], [sflag:s22] =	dma.local [hbm:s6], s20  }
0xa4: {  	_ =	swait.ge [sflag:s22], s20  }
0xa5: {  	s5 =	ssub.s32 $0x0, s20;
	[sflag:s22] =	ssyncset.done $0x0  }
0xa6: {  	[sflag:s22] =	ssyncadd.s32 s5;
	_ =	sdelay $0x1  }
0xa7: {  	s23 =	simm.s32 $0x1B8B  }
0xa8: {  	_ =	swait.ge [sflag:s23], $0x1  }
0xa9: {  	[sflag:s23] =	ssyncset.done $0x0  }
0xaa: {  	s25 =	simm.s32 $0x1B8E;
	s24 =	sld [smem:$0x3FFE];
	[sflag:s23] =	ssyncadd.s32 $0xFFFFFFFF  }
0xab: {  	s26 =	simm.s32 $execute0_lowered;
	[smem:$0x3FD2] =	sst s25  }
0xac: {  	s6 =	sshll.u32 s26, $0x1;
	_ =	strace $0x80000046;
	[dreg:$0x1] =	wrdreg $0xFFFFFFFF  }
0xad: {  	s28 =	simm.s32 $_size_execute0_lowered;
	s4 =	sadd.s32 s4, s6;
	[dreg:$0x0] =	wrdreg $0x0  }
0xae: {  	s6 =	sshll.u32 s28, $0x1;
	[dreg:$0x2] =	wrdreg s4  }
0xaf: {  	[dreg:$0x3] =	wrdreg s6  }
0xb0: {  	[dreg:$0x4] =	wrdreg $0xC0  }
0xb1: {  	_ =	task [dreg:s8], $0x5FFFF  }
0xb2: {  	[dreg:$0x1] =	wrdreg $0xFFFFFFFF  }
0xb3: {  	[dreg:$0x0] =	wrdreg $0x60  }
0xb4: {  	[dreg:$0x2] =	wrdreg s16  }
0xb5: {  	[dreg:$0x3] =	wrdreg s15  }
0xb6: {  	[dreg:$0x4] =	wrdreg s24  }
0xb7: {  	[dreg:$0x5] =	wrdreg $0x9  }
0xb8: {  	_ =	task.clear_ibuf [dreg:s8], $0x6FFFF;
	_ =	strace $0x90000046  }
0xb9: {  	s29 =	simm.s32 $0x9;
	_ =	strace $0x80000048  }
0xba: {  	_ =	swait.ge [sflag:s29], $0x1  }
0xbb: {  	[sflag:s29] =	ssyncadd.s32 $0xFFFFFFFF  }
0xbc: {  	_ =	strace $0x90000048  }
0xbd: {  	_ =	sfence  }
0xbe: {  	s30 =	sld [smem:$0x0];
	_ =	sdelay $0x2  }
0xbf: {  	s31 =	sshll.u32 s1, $0xD;
	s1 =	sshrl.u32 s1, $0x2  }
0xc0: {  	s3 =	sand.u32 $0x4000, s31;
	s1 =	sadd.s32 s1, s30  }
0xc1: {  	s0 =	sor.u32 s3, s0;
	s1 =	sshll.u32 s1, $0x11  }
0xc2: {  	s0 =	sor.u32 s1, s0  }
0xc3: {  	s0 =	sadd.s32 $0x8F2B, s0  }
0xc4: {  	[sflag:s0] =	ssyncadd.remote.s32 $0x1  }
0xc5: {  	_ =	sfence.sel $0xFFFF  }
0xc6: {  	[dreg:$0x0] =	wrdreg $0xFFFFFFFF;
	(pc) =	sbr.abs _section_cstart, $3  }
0xc7: {  	[dreg:$0x1] =	wrdreg $0xFFFFFFFF  }
0xc8: {  	_ =	task.clear_ibuf [dreg:s8], $0x2FFFF;
	_ =	strace $0x9FFFFFFF  }
0xc9: {  	(tm) =	ssettm $0x7FFFFFFF  }
tec
execute0_lowered:
.L_overlay_start_1:
0x0: {  	(tag) =	ssettag $0x1  }
0x1: {  	s4 =	rddreg [dreg:$0x0]  }
0x2: {  	s1 =	rddreg [dreg:$0x1]  }
0x3: {  	s5 =	rddreg [dreg:$0x2];
	s2 =	simm.s32 $0x0  }
0x4: {  	[smem:$0x7FF] =	sst s2  }
0x5: {  	s0 =	rddreg [dreg:$0x3];
	v0 =	vimm.s32 $0x800000C4;
	_ =	strace $0x80000047  }
0x6: {  	(xrf0) =	vmax.scan.msk.u32 $0xffff, v0;
	_ =	sdelay $0x5  }
0x7: {  	v0, _, _ =	vpop (xrf0)  }
0x8: {  	(v2sf) =	vpush v0, $0xF;
	_ =	sdelay $0x4  }
0x9: {  	s3 =	srdreg.scid  }
0xa: {  	s6 =	sand.u32 $0x1, s3  }
0xb: {  	s3 =	stileid.u32;
	s7 =	sshll.u32 s6, $0x4  }
0xc: {  	s7 =	sor.u32 s3, s7  }
0xd: {  	s12 =	simm.s32 $0x1;
	s8 =	smul.u32 $0x620, s7  }
0xe: {  	s13 =	simm.s32 $0x10C70;
	s6 =	ssub.s32 $0x2, s6;
	s7 =	smul.u32 $0xC35, s7  }
0xf: {  	s14 =	simm.s32 $0x13D70;
	s15 =	simm.s32 $0x0;
	s9 =	sshrl.u32 s6, $0x1  }
.Ltmp0:
0x10: {  	s9 =	ssub.s32 s6, s9;
	s10 =	sand.u32 $0x7, s7;
	v0 =	vlaneseq.u32;
	(pc) =	sbr.rel .LBB2_1-.Ltmp0, $4  }
0x11: {  	s8 =	sadd.s32 s8, s5;
	s31 =	sshrl.u32 s7, $0x3;
	s7 =	smax.u32 s9, $0x1;
	v5 =	vmov s10;
	v1 =	vmul.u32 $0xC4, v0;
	v2 =	vmul.u32 $0x2, v0  }
0x12: {  	v9 =	vimm.s32 $0x0;
	s9 =	simm.s32 $0x10C50;
	s4 =	sadd.s32 s4, s31;
	s5 =	sadd.s32 $0xA00, s8;
	v5 =	vadd.s32 $0x1, v5;
	v7 =	vmul.u32 $0x1000, v0  }
0x13: {  	s6 =	sadd.s32 $0xCE00, s8;
	s8 =	simm.s32 $0x2;
	v4 =	vor.u32 $0x1, v1;
	v3 =	vadd.s32 s10, v1;
	v6 =	vor.u32 $0x1, v2;
	s11 =	spop (v2sf)  }
0x14: {  	v8 =	vadd.s32 $0xC4, v1;
	v10 =	vadd.s32 $0xC3, v1;
	v4 =	vadd.s32 s10, v4;
	s10 =	simm.s32 $0x20;
	p0 =	sgt.u32 s11, $0x80000000;
	s11 =	simm.s32 $0xC50  }
.LBB2_6:
0x15: {  	[hbm4b:s5+s2] =	stream.linear.scatter [tilespmem:s13], [sflag:$0x2], $0x3100, $0x38;
	[tilespmem:$0x16E70] =	vst v63  }
0x16: {  	s15 =	sadd.s32 $0x1, s15;
	_ =	swait.ge [sflag:s8], $0x3100  }
0x17: {  	p1 =	sne.s32 s15, s7;
	[sflag:s8] =	ssyncset.done $0x0  }
.Ltmp1:
0x18: {  	[sflag:s8] =	ssyncadd.s32 $0xFFFFCF00;
	(pc) =	sbr.rel @!p1 .LBB2_7-.Ltmp1, $4  }
0x19: {  	[hbm4b:s6+s2] =	stream.linear.scatter [tilespmem:s14], [sflag:$0x2], $0x3100, $0x38;
	[tilespmem:$0x16E70] =	vst v63  }
0x1a: {  	_ =	swait.ge [sflag:s8], $0x3100  }
0x1b: {  	[sflag:s8] =	ssyncset.done $0x0  }
0x1c: {  	[sflag:s8] =	ssyncadd.s32 $0xFFFFCF00  }
.LBB2_1:
.Ltmp2:
0x1d: {  	(pc) =	sbr.rel @!p0 .LBB2_6-.Ltmp2, $4  }
0x1e: {  	[tilespmem:s2], [sflag:$0x2] =	stream.linear.gather [hbm4b:s4+s2], $0xC50, $0x38;
	[tilespmem:$0x16E70] =	vst v63  }
0x1f: {  	_ =	swait.ge [sflag:s8], $0xC50  }
0x20: {  	[sflag:s8] =	ssyncset.done $0x0  }
0x21: {  	[sflag:s8] =	ssyncadd.s32 $0xFFFFF3B0  }
0x22: {  	_ =	sdelay $0x3  }
0x23: {  	v13 =	vld.idx.msk [tilespmem:v3+s2+$0x0], $0xffff  }
0x24: {  	v11 =	vld.idx.msk [tilespmem:v4+s2+$0x0], $0xffff;
	_ =	sdelay $0x1  }
0x25: {  	v17 =	vimm.f32 $-Inf;
	v16 =	vimm.s32 $0xFFFFFFFF  }
0x26: {  	v15 =	vimm.s32 $0xFFFFFFFF;
	v14 =	vimm.s32 $0xFFFFFFFF;
	v18 =	vimm.s32 $0xFFFFFFFF  }
0x27: {  	v21 =	vimm.f32 $-Inf;
	v19 =	vimm.f32 $-Inf;
	v20 =	vimm.f32 $-Inf;
	v12 =	vmovc v1  }
.LBB2_4:
0x28: {  	_ = 	snop  }
0x29: {  	v22 =	vshra.s32 v13, $0xB  }
0x2a: {  	vm0 =	vlt.s32 v22, $0xC33  }
0x2b: {  	v23 =	vnsel vm0, $0xC33, v22  }
0x2c: {  	[tilespmem:v2+s9+$0x0] =	vst.idx.msk $0xffff, v22;
	v22 =	vadd.s32 $0x1, v23  }
0x2d: {  	[tilespmem:v6+s9+$0x0] =	vst.idx.msk $0xffff, v22  }
0x2e: {  	[tilespmem:s11], [sflag:$0x1] =	stream.indirect.gather [hbm4b:s1+s10], $0x800, s9, s10, $0xb8;
	[tilespmem:$0x16E70] =	vst v63  }
0x2f: {  	_ =	swait.ge [sflag:s12], $0x10000  }
0x30: {  	v22 =	vand.u32 $0x7FF, v13;
	[sflag:s12] =	ssyncset.done $0x0  }
0x31: {  	s16 =	simm.s32 $0x80;
	v22 =	vor.u32 v7, v22;
	[sflag:s12] =	ssyncadd.s32 $0xFFFF0000  }
.LBB2_5:
0x32: {  	vm0 =	vge.s32 v13, v11;
	vm1 =	vlt.s32 v12, v8  }
0x33: {  	vm0 =	vmand vm1, vm0  }
0x34: {  	v23 =	vshll.u32 v12, $0x2  }
0x35: {  	v24 =	vor.u32 $0x1, v23  }
0x36: {  	v25 =	vor.u32 $0x2, v23  }
0x37: {  	v26 =	vor.u32 $0x3, v23;
	_ =	sdelay $0x1  }
0x38: {  	[tilespmem:v23+s13+$0x0] =	vst.idx.msk vm0, v20  }
0x39: {  	v27 =	vsel vm0, $0x1, v9;
	[tilespmem:v24+s13+$0x0] =	vst.idx.msk vm0, v19  }
0x3a: {  	v12 =	vadd.s32 v27, v12;
	[tilespmem:v25+s13+$0x0] =	vst.idx.msk vm0, v21  }
0x3b: {  	v27 =	vadd.s32 v12, v5;
	[tilespmem:v26+s13+$0x0] =	vst.idx.msk vm0, v17  }
0x3c: {  	[tilespmem:v23+s14+$0x0] =	vst.idx.msk vm0, v18  }
0x3d: {  	[tilespmem:v24+s14+$0x0] =	vst.idx.msk vm0, v14  }
0x3e: {  	[tilespmem:v25+s14+$0x0] =	vst.idx.msk vm0, v15  }
0x3f: {  	[tilespmem:v26+s14+$0x0] =	vst.idx.msk vm0, v16  }
0x40: {  	v23 =	vld.idx.msk [tilespmem:v27+s2+$0x0], $0xffff;
	_ =	sdelay $0x3  }
0x41: {  	vm10 =	vgt.s32 v12, v10  }
0x42: {  	v23 =	vsel vm10, v13, v23  }
0x43: {  	v11 =	vsel vm0, v23, v11  }
0x44: {  	vm11 =	vlt.s32 v13, v11;
	_ =	sdelay $0x3  }
0x45: {  	v23 =	vsel vm11, $0x1, v9  }
0x46: {  	v56 =	vadd.s32 v23, v13  }
0x47: {  	vm2 =	vlt.s32 v56, v11;
	v24 =	vld.idx.msk [tilespmem:v22+s11+$0x0], vm11  }
0x48: {  	v22 =	vadd.s32 v23, v22  }
0x49: {  	v20 =	vsel vm0, $0xFF800000, v20;
	v19 =	vsel vm0, $0xFF800000, v19  }
0x4a: {  	v21 =	vsel vm0, $0xFF800000, v21;
	v17 =	vsel vm0, $0xFF800000, v17;
	v18 =	vsel vm0, $0xFFFFFFFF, v18  }
0x4b: {  	v14 =	vsel vm0, $0xFFFFFFFF, v14;
	v15 =	vsel vm0, $0xFFFFFFFF, v15;
	v57 =	vsel vm2, $0x1, v9  }
0x4c: {  	v16 =	vsel vm0, $0xFFFFFFFF, v16;
	v58 =	vadd.s32 v57, v56;
	v23 =	vnsel vm11, $0xFF800000, v24  }
0x4d: {  	vm12 =	vlt.s32 v58, v11;
	v26 =	vld.idx.msk [tilespmem:v22+s11+$0x0], vm2;
	v22 =	vadd.s32 v57, v22;
	vm1 =	vgt.f32 v23, v20  }
0x4e: {  	vm3 =	vgt.f32 v23, v21;
	vm4 =	vgt.f32 v23, v19;
	vm13 =	vgt.f32 v23, v17  }
0x4f: {  	v24 =	vsel vm3, v23, v21;
	v28 =	vsel vm4, v23, v19;
	v59 =	vsel vm3, v13, v15  }
0x50: {  	v17 =	vsel vm13, v23, v17;
	v19 =	vsel vm4, v19, v24;
	v27 =	vsel vm4, v14, v59  }
0x51: {  	v14 =	vsel vm4, v13, v14;
	v28 =	vsel vm1, v20, v28;
	v20 =	vsel vm1, v23, v20  }
0x52: {  	v17 =	vsel vm3, v21, v17;
	v21 =	vsel vm12, $0x1, v9;
	v14 =	vsel vm1, v18, v14  }
0x53: {  	v18 =	vsel vm1, v13, v18;
	v13 =	vsel vm13, v13, v16;
	v23 =	vnsel vm2, $0xFF800000, v26  }
0x54: {  	v13 =	vsel vm3, v15, v13;
	v16 =	vld.idx.msk [tilespmem:v22+s11+$0x0], vm12;
	v22 =	vadd.s32 v21, v22;
	v21 =	vadd.s32 v21, v58  }
0x55: {  	vm2 =	vgt.f32 v23, v19;
	vm14 =	vgt.f32 v23, v28;
	vm15 =	vgt.f32 v23, v20  }
0x56: {  	vm8 =	vlt.s32 v21, v11;
	vm9 =	vgt.f32 v23, v17;
	v15 =	vsel vm2, v23, v19  }
0x57: {  	v60 =	vsel vm2, v56, v27;
	v17 =	vsel vm9, v23, v17;
	v13 =	vsel vm9, v56, v13  }
0x58: {  	v15 =	vsel vm14, v28, v15;
	v28 =	vsel vm14, v23, v28;
	v26 =	vsel vm14, v14, v60  }
0x59: {  	v14 =	vsel vm14, v56, v14;
	v17 =	vsel vm2, v19, v17;
	v13 =	vsel vm2, v27, v13  }
0x5a: {  	v28 =	vsel vm15, v20, v28;
	v20 =	vsel vm15, v23, v20;
	v14 =	vsel vm15, v18, v14  }
0x5b: {  	v18 =	vsel vm15, v56, v18;
	v23 =	vsel vm8, $0x1, v9;
	v16 =	vnsel vm12, $0xFF800000, v16  }
0x5c: {  	v62 =	vadd.s32 v23, v21;
	vm10 =	vgt.f32 v16, v15;
	vm11 =	vgt.f32 v16, v28  }
0x5d: {  	vm12 =	vgt.f32 v16, v20;
	vm13 =	vlt.s32 v62, v11;
	vm14 =	vgt.f32 v16, v17  }
0x5e: {  	v19 =	vsel vm10, v16, v15;
	v61 =	vld.idx.msk [tilespmem:v22+s11+$0x0], vm8;
	v22 =	vadd.s32 v23, v22;
	v23 =	vsel vm10, v58, v26  }
0x5f: {  	v13 =	vsel vm14, v58, v13;
	v32 =	vsel vm13, $0x1, v9;
	v19 =	vsel vm11, v28, v19  }
0x60: {  	v28 =	vsel vm11, v16, v28;
	v23 =	vsel vm11, v14, v23;
	v14 =	vsel vm11, v58, v14  }
0x61: {  	v13 =	vsel vm10, v26, v13;
	v34 =	vadd.s32 v32, v62;
	v28 =	vsel vm12, v20, v28  }
0x62: {  	v20 =	vsel vm12, v16, v20;
	v14 =	vsel vm12, v18, v14;
	v16 =	vsel vm14, v16, v17  }
0x63: {  	v18 =	vsel vm12, v58, v18;
	v15 =	vsel vm10, v15, v16;
	v16 =	vnsel vm8, $0xFF800000, v61  }
0x64: {  	vm10 =	vlt.s32 v34, v11;
	v63 =	vld.idx.msk [tilespmem:v22+s11+$0x0], vm13;
	v22 =	vadd.s32 v32, v22;
	vm15 =	vgt.f32 v16, v20  }
0x65: {  	vm8 =	vgt.f32 v16, v19;
	vm9 =	vgt.f32 v16, v28;
	vm11 =	vgt.f32 v16, v15  }
0x66: {  	v17 =	vsel vm8, v16, v19;
	v33 =	vsel vm9, v16, v28;
	v35 =	vsel vm8, v21, v23  }
0x67: {  	v15 =	vsel vm11, v16, v15;
	v13 =	vsel vm11, v21, v13;
	v17 =	vsel vm9, v28, v17  }
0x68: {  	v25 =	vsel vm9, v14, v35;
	v14 =	vsel vm9, v21, v14;
	v26 =	vsel vm15, v20, v33  }
0x69: {  	v20 =	vsel vm15, v16, v20;
	v15 =	vsel vm8, v19, v15;
	v13 =	vsel vm8, v23, v13  }
0x6a: {  	v23 =	vsel vm10, $0x1, v9;
	v14 =	vsel vm15, v18, v14;
	v18 =	vsel vm15, v21, v18  }
0x6b: {  	v16 =	vnsel vm13, $0xFF800000, v63;
	v21 =	vld.idx.msk [tilespmem:v22+s11+$0x0], vm10;
	v22 =	vadd.s32 v23, v22;
	v23 =	vadd.s32 v23, v34  }
0x6c: {  	vm12 =	vgt.f32 v16, v17;
	vm13 =	vgt.f32 v16, v26;
	vm14 =	vgt.f32 v16, v20  }
0x6d: {  	vm15 =	vlt.s32 v23, v11;
	vm7 =	vgt.f32 v16, v15;
	v19 =	vsel vm12, v16, v17  }
0x6e: {  	v36 =	vsel vm12, v62, v25;
	v15 =	vsel vm7, v16, v15;
	v13 =	vsel vm7, v62, v13  }
0x6f: {  	v19 =	vsel vm13, v26, v19;
	v26 =	vsel vm13, v16, v26;
	v24 =	vsel vm13, v14, v36  }
0x70: {  	v14 =	vsel vm13, v62, v14;
	v15 =	vsel vm12, v17, v15;
	v13 =	vsel vm12, v25, v13  }
0x71: {  	v26 =	vsel vm14, v20, v26;
	v20 =	vsel vm14, v16, v20;
	v14 =	vsel vm14, v18, v14  }
0x72: {  	v18 =	vsel vm14, v62, v18;
	v16 =	vnsel vm10, $0xFF800000, v21;
	v21 =	vsel vm15, $0x1, v9  }
0x73: {  	vm8 =	vgt.f32 v16, v19;
	vm9 =	vgt.f32 v16, v26;
	vm10 =	vgt.f32 v16, v20  }
0x74: {  	v38 =	vadd.s32 v21, v23;
	v21 =	vadd.s32 v21, v22;
	vm12 =	vgt.f32 v16, v15  }
0x75: {  	v17 =	vsel vm8, v16, v19;
	v37 =	vld.idx.msk [tilespmem:v22+s11+$0x0], vm15;
	v22 =	vsel vm8, v34, v24;
	vm11 =	vlt.s32 v38, v11  }
0x76: {  	v15 =	vsel vm12, v16, v15;
	v13 =	vsel vm12, v34, v13;
	v17 =	vsel vm9, v26, v17  }
0x77: {  	v26 =	vsel vm9, v16, v26;
	v22 =	vsel vm9, v14, v22;
	v14 =	vsel vm9, v34, v14  }
0x78: {  	v15 =	vsel vm8, v19, v15;
	v13 =	vsel vm8, v24, v13;
	v40 =	vsel vm11, $0x1, v9  }
0x79: {  	v26 =	vsel vm10, v20, v26;
	v20 =	vsel vm10, v16, v20;
	v14 =	vsel vm10, v18, v14  }
0x7a: {  	v18 =	vsel vm10, v34, v18;
	v42 =	vadd.s32 v40, v38;
	v16 =	vnsel vm15, $0xFF800000, v37  }
0x7b: {  	vm8 =	vlt.s32 v42, v11;
	vm13 =	vgt.f32 v16, v20;
	vm14 =	vgt.f32 v16, v17  }
0x7c: {  	vm15 =	vgt.f32 v16, v26;
	v39 =	vld.idx.msk [tilespmem:v21+s11+$0x0], vm11;
	v21 =	vadd.s32 v40, v21;
	vm9 =	vgt.f32 v16, v15  }
0x7d: {  	v19 =	vsel vm14, v16, v17;
	v41 =	vsel vm15, v16, v26;
	v43 =	vsel vm14, v23, v22  }
0x7e: {  	v15 =	vsel vm9, v16, v15;
	v13 =	vsel vm9, v23, v13;
	v19 =	vsel vm15, v26, v19  }
0x7f: {  	v25 =	vsel vm15, v14, v43;
	v14 =	vsel vm15, v23, v14;
	v28 =	vsel vm13, v20, v41  }
0x80: {  	v20 =	vsel vm13, v16, v20;
	v15 =	vsel vm14, v17, v15;
	v13 =	vsel vm14, v22, v13  }
0x81: {  	v14 =	vsel vm13, v18, v14;
	v18 =	vsel vm13, v23, v18;
	v23 =	vsel vm8, $0x1, v9  }
0x82: {  	v16 =	vnsel vm11, $0xFF800000, v39;
	v22 =	vld.idx.msk [tilespmem:v21+s11+$0x0], vm8;
	v21 =	vadd.s32 v23, v21;
	v23 =	vadd.s32 v23, v42  }
0x83: {  	vm10 =	vgt.f32 v16, v19;
	vm11 =	vgt.f32 v16, v28;
	vm12 =	vgt.f32 v16, v20  }
0x84: {  	vm13 =	vlt.s32 v23, v11;
	vm14 =	vgt.f32 v16, v15;
	v17 =	vsel vm10, v16, v19  }
0x85: {  	v44 =	vsel vm10, v38, v25;
	v15 =	vsel vm14, v16, v15;
	v13 =	vsel vm14, v38, v13  }
0x86: {  	v17 =	vsel vm11, v28, v17;
	v28 =	vsel vm11, v16, v28;
	v24 =	vsel vm11, v14, v44  }
0x87: {  	v14 =	vsel vm11, v38, v14;
	v15 =	vsel vm10, v19, v15;
	v13 =	vsel vm10, v25, v13  }
0x88: {  	v28 =	vsel vm12, v20, v28;
	v20 =	vsel vm12, v16, v20;
	v14 =	vsel vm12, v18, v14  }
0x89: {  	v18 =	vsel vm12, v38, v18;
	v16 =	vnsel vm8, $0xFF800000, v22;
	v22 =	vsel vm13, $0x1, v9  }
0x8a: {  	vm15 =	vgt.f32 v16, v17;
	vm8 =	vgt.f32 v16, v28;
	vm9 =	vgt.f32 v16, v20  }
0x8b: {  	v46 =	vadd.s32 v22, v23;
	vm11 =	vgt.f32 v16, v15;
	v19 =	vsel vm15, v16, v17  }
0x8c: {  	v45 =	vld.idx.msk [tilespmem:v21+s11+$0x0], vm13;
	v21 =	vadd.s32 v22, v21;
	v22 =	vsel vm15, v42, v24;
	vm10 =	vlt.s32 v46, v11  }
0x8d: {  	v15 =	vsel vm11, v16, v15;
	v13 =	vsel vm11, v42, v13;
	v19 =	vsel vm8, v28, v19  }
0x8e: {  	v28 =	vsel vm8, v16, v28;
	v22 =	vsel vm8, v14, v22;
	v14 =	vsel vm8, v42, v14  }
0x8f: {  	v15 =	vsel vm15, v17, v15;
	v13 =	vsel vm15, v24, v13;
	v48 =	vsel vm10, $0x1, v9  }
0x90: {  	v28 =	vsel vm9, v20, v28;
	v20 =	vsel vm9, v16, v20;
	v14 =	vsel vm9, v18, v14  }
0x91: {  	v18 =	vsel vm9, v42, v18;
	v50 =	vadd.s32 v48, v46;
	v16 =	vnsel vm13, $0xFF800000, v45  }
0x92: {  	vm15 =	vlt.s32 v50, v11;
	vm12 =	vgt.f32 v16, v20;
	vm13 =	vgt.f32 v16, v19  }
0x93: {  	vm14 =	vgt.f32 v16, v28;
	v47 =	vld.idx.msk [tilespmem:v21+s11+$0x0], vm10;
	v21 =	vadd.s32 v48, v21;
	vm8 =	vgt.f32 v16, v15  }
0x94: {  	v17 =	vsel vm13, v16, v19;
	v49 =	vsel vm14, v16, v28;
	v51 =	vsel vm13, v23, v22  }
0x95: {  	v15 =	vsel vm8, v16, v15;
	v13 =	vsel vm8, v23, v13;
	v17 =	vsel vm14, v28, v17  }
0x96: {  	v25 =	vsel vm14, v14, v51;
	v14 =	vsel vm14, v23, v14;
	v26 =	vsel vm12, v20, v49  }
0x97: {  	v20 =	vsel vm12, v16, v20;
	v15 =	vsel vm13, v19, v15;
	v13 =	vsel vm13, v22, v13  }
0x98: {  	v14 =	vsel vm12, v18, v14;
	v18 =	vsel vm12, v23, v18;
	v23 =	vsel vm15, $0x1, v9  }
0x99: {  	v16 =	vnsel vm10, $0xFF800000, v47;
	v22 =	vld.idx.msk [tilespmem:v21+s11+$0x0], vm15;
	v21 =	vadd.s32 v23, v21;
	v23 =	vadd.s32 v23, v50  }
0x9a: {  	vm9 =	vgt.f32 v16, v17;
	vm10 =	vgt.f32 v16, v26;
	vm11 =	vgt.f32 v16, v20  }
0x9b: {  	vm12 =	vlt.s32 v23, v11;
	vm13 =	vgt.f32 v16, v15;
	v19 =	vsel vm9, v16, v17  }
0x9c: {  	v52 =	vsel vm9, v46, v25;
	v15 =	vsel vm13, v16, v15;
	v13 =	vsel vm13, v46, v13  }
0x9d: {  	v54 =	vsel vm12, $0x1, v9;
	v19 =	vsel vm10, v26, v19;
	v26 =	vsel vm10, v16, v26  }
0x9e: {  	v24 =	vsel vm10, v14, v52;
	v14 =	vsel vm10, v46, v14;
	v15 =	vsel vm9, v17, v15  }
0x9f: {  	v13 =	vsel vm9, v25, v13;
	v26 =	vsel vm11, v20, v26;
	v20 =	vsel vm11, v16, v20  }
0xa0: {  	v14 =	vsel vm11, v18, v14;
	v18 =	vsel vm11, v46, v18;
	v16 =	vnsel vm15, $0xFF800000, v22  }
0xa1: {  	vm14 =	vgt.f32 v16, v19;
	vm15 =	vgt.f32 v16, v20;
	vm1 =	vgt.f32 v16, v26  }
0xa2: {  	vm9 =	vgt.f32 v16, v15;
	v17 =	vsel vm14, v16, v19;
	v22 =	vsel vm1, v16, v26  }
0xa3: {  	v53 =	vld.idx.msk [tilespmem:v21+s11+$0x0], vm12;
	v55 =	vsel vm14, v50, v24;
	v21 =	vadd.s32 v54, v21;
	v15 =	vsel vm9, v16, v15  }
0xa4: {  	v13 =	vsel vm9, v50, v13;
	v17 =	vsel vm1, v26, v17;
	v26 =	vadd.s32 v54, v23  }
0xa5: {  	v27 =	vsel vm1, v14, v55;
	v14 =	vsel vm1, v50, v14;
	vm8 =	vlt.s32 v26, v11  }
0xa6: {  	v22 =	vsel vm15, v20, v22;
	v20 =	vsel vm15, v16, v20;
	v15 =	vsel vm14, v19, v15  }
0xa7: {  	v13 =	vsel vm14, v24, v13;
	v14 =	vsel vm15, v18, v14;
	v56 =	vsel vm8, $0x1, v9  }
0xa8: {  	v18 =	vsel vm15, v50, v18;
	v57 =	vadd.s32 v56, v26;
	v16 =	vnsel vm12, $0xFF800000, v53  }
0xa9: {  	vm12 =	vlt.s32 v57, v11;
	vm0 =	vgt.f32 v16, v20;
	vm10 =	vgt.f32 v16, v17  }
0xaa: {  	vm11 =	vgt.f32 v16, v22;
	vm13 =	vgt.f32 v16, v15;
	v19 =	vsel vm10, v16, v17  }
0xab: {  	v25 =	vsel vm11, v16, v22;
	v58 =	vsel vm10, v23, v27;
	v19 =	vsel vm11, v22, v19;
	v22 =	vld.idx.msk [tilespmem:v21+s11+$0x0], vm8  }
0xac: {  	v15 =	vsel vm13, v16, v15;
	v13 =	vsel vm13, v23, v13;
	v21 =	vadd.s32 v56, v21  }
0xad: {  	v24 =	vsel vm11, v14, v58;
	v14 =	vsel vm11, v23, v14;
	v25 =	vsel vm0, v20, v25  }
0xae: {  	v20 =	vsel vm0, v16, v20;
	v15 =	vsel vm10, v17, v15;
	v13 =	vsel vm10, v27, v13  }
0xaf: {  	v17 =	vsel vm12, $0x1, v9;
	v14 =	vsel vm0, v18, v14;
	v18 =	vsel vm0, v23, v18  }
0xb0: {  	v59 =	vadd.s32 v17, v57;
	v29 =	vadd.s32 v17, v21;
	v16 =	vnsel vm8, $0xFF800000, v22  }
0xb1: {  	vm0 =	vlt.s32 v59, v11;
	v23 =	vld.idx.msk [tilespmem:v21+s11+$0x0], vm12;
	vm1 =	vgt.f32 v16, v20;
	vm14 =	vgt.f32 v16, v19  }
0xb2: {  	vm15 =	vgt.f32 v16, v25;
	vm8 =	vgt.f32 v16, v15;
	v22 =	vsel vm14, v16, v19  }
0xb3: {  	v17 =	vsel vm14, v26, v24;
	v15 =	vsel vm8, v16, v15;
	v13 =	vsel vm8, v26, v13  }
0xb4: {  	v21 =	vsel vm15, v25, v22;
	v22 =	vsel vm15, v16, v25;
	v17 =	vsel vm15, v14, v17  }
0xb5: {  	v14 =	vsel vm15, v26, v14;
	v22 =	vsel vm1, v20, v22;
	v20 =	vsel vm1, v16, v20  }
0xb6: {  	v14 =	vsel vm1, v18, v14;
	v16 =	vsel vm1, v26, v18;
	v18 =	vnsel vm12, $0xFF800000, v23  }
0xb7: {  	v15 =	vsel vm14, v19, v15;
	v13 =	vsel vm14, v24, v13;
	vm9 =	vgt.f32 v18, v22  }
0xb8: {  	v23 =	vld.idx.msk [tilespmem:v29+s11+$0x0], vm0;
	vm2 =	vgt.f32 v18, v20;
	vm10 =	vgt.f32 v18, v21;
	vm11 =	vgt.f32 v18, v15  }
0xb9: {  	v19 =	vsel vm9, v18, v22;
	v61 =	vsel vm2, v18, v20;
	v15 =	vsel vm11, v18, v15  }
0xba: {  	v13 =	vsel vm11, v57, v13;
	v60 =	vsel vm2, v20, v19;
	v19 =	vsel vm10, v18, v21  }
0xbb: {  	v63 =	vsel vm10, v21, v15;
	v22 =	vsel vm9, v22, v19;
	v19 =	vsel vm10, v57, v17  }
0xbc: {  	v13 =	vsel vm10, v17, v13;
	v62 =	vsel vm9, v14, v19;
	v14 =	vsel vm9, v57, v14  }
0xbd: {  	v17 =	vnsel vm0, $0xFF800000, v23;
	v30 =	vsel vm2, v16, v14;
	v16 =	vsel vm2, v57, v16  }
0xbe: {  	vm12 =	vgt.f32 v17, v61;
	vm13 =	vgt.f32 v17, v60;
	vm14 =	vgt.f32 v17, v22  }
0xbf: {  	p1 =	seq.s32 s16, $0x1;
	vm15 =	vgt.f32 v17, v63;
	v20 =	vsel vm12, v17, v61;
	v14 =	vsel vm13, v17, v60  }
.Ltmp3:
0xc0: {  	v15 =	vsel vm14, v17, v22;
	v18 =	vsel vm12, v59, v16;
	v13 =	vsel vm15, v59, v13;
	(pc) =	sbr.rel @!p1 .LBB2_5-.Ltmp3, $4  }
0xc1: {  	v19 =	vsel vm12, v61, v14;
	v14 =	vsel vm13, v59, v30;
	v21 =	vsel vm13, v60, v15  }
0xc2: {  	v15 =	vsel vm14, v59, v62;
	v14 =	vsel vm12, v16, v14;
	v16 =	vsel vm15, v17, v63  }
0xc3: {  	v15 =	vsel vm13, v30, v15;
	v17 =	vsel vm14, v22, v16;
	v22 =	vsel vm0, $0x1, v9  }
0xc4: {  	s16 =	sadd.s32 $0xFFFFFFFF, s16;
	v16 =	vsel vm14, v62, v13;
	v13 =	vadd.s32 v22, v59;
	v22 =	vadd.s32 v22, v29  }
0xc5: {  	v22 =	vmul.u32 $0xC4, v0;
	_ =	sdelay $0x1  }
0xc6: {  	v22 =	vadd.s32 $0xC4, v22  }
0xc7: {  	v22 =	vsub.s32 v22, v12  }
0xc8: {  	v22 =	vxor.u32 $0x80000000, v22  }
0xc9: {  	(xrf0) =	vmax.scan.msk.u32 $0xffff, v22;
	_ =	sdelay $0x5  }
0xca: {  	v22, _, _ =	vpop (xrf0)  }
0xcb: {  	(v2sf) =	vpush v22, $0xF;
	_ =	sdelay $0xe  }
0xcc: {  	s16 =	spop (v2sf)  }
0xcd: {  	p1 =	slt.u32 s16, $0x80000001  }
.Ltmp4:
0xce: {  	_ = 	snop;
	(pc) =	sbr.rel @!p1 .LBB2_4-.Ltmp4, $4  }
.Ltmp5:
0xcf: {  	_ = 	snop;
	(pc) =	sbr.rel @p1 .LBB2_6-.Ltmp5, $4  }
0xd0: {  	_ = 	snop  }
0xd1: {  	_ = 	snop  }
0xd2: {  	_ = 	snop  }
0xd3: {  	_ = 	snop  }
.LBB2_7:
0xd4: {  	_ =	sfence.sel $0x180000  }
0xd5: {  	[bflag:$0x0] =	sbarrier.arrive $0xFFFF  }
0xd6: {  	p0 =	sne.s32 s3, $0x0;
	_ =	strace $0x90000047  }
0xd7: {  	s0 =	sadd.s32 @!p0 $0x100000, s0;
	[bflag:$0x2] =	sbarrier.arrive $0xFFFF  }
0xd8: {  	[sflag:s0] =	ssyncadd.tile.s32 @!p0 $0x1;
	_ =	shalt  }
.Lfunc_end2:
_tile_overlayer_lowered:
.L_overlay_start_2:
0xd9: {  	(tag) =	ssettag $0x2  }
0xda: {  	s0 =	rddreg [dreg:$0x0];
	s2 =	stileid.u32  }
0xdb: {  	s1 =	rddreg [dreg:$0x1];
	p0 =	sne.s32 s2, $0x0  }
0xdc: {  	s3 =	rddreg [dreg:$0x2];
	[bflag:$0x3] =	sbarrier.arrive $0xFFFF;
	s2 =	simm.s32 @!p0 $0x1C02  }
0xdd: {  	[timem:s3], [sflag:s2] =	dma.local @!p0 [hbm:s0], s1  }
0xde: {  	s0 =	simm.s32 @!p0 $0x2  }
0xdf: {  	_ =	swait.ge @!p0 [sflag:s0], s1  }
0xe0: {  	s1 =	ssub.s32 @!p0 $0x0, s1;
	[sflag:s0] =	ssyncset.done @!p0 $0x0  }
0xe1: {  	[sflag:s0] =	ssyncadd.s32 @!p0 s1  }
0xe2: {  	[bflag:$0x3] =	sbarrier.arrive $0xFFFF  }
0xe3: {  	_ =	shalt  }

</sc_bundles>
